<compile_context>
chip_gen: v7x
topology: tpu7x:2x2x1
jax: 0.10.2.dev20260603
libtpu: 0.0.44.dev20260713+nightly
codegen_flags: <defaults>
</compile_context>

<pallas_src>
import functools

import jax
import jax.numpy as jnp
from jax import lax
from jax.experimental import pallas as pl
from jax.experimental.pallas import tpu as pltpu
from jax.experimental.pallas import tpu_sc as plsc


def _lse_kernel(valid_ref, emb_ref, w_ref, tot_ref, cnt_ref,
                acc_ref, vacc_ref):
    i = pl.program_id(0)
    nsteps = pl.num_programs(0)
    emb = emb_ref[...].astype(jnp.bfloat16)
    w = w_ref[...].astype(jnp.bfloat16)
    logits = jax.lax.dot_general(
        emb, w, (((1,), (1,)), ((), ())),
        preferred_element_type=jnp.float32)
    tn, c = logits.shape
    ones = jnp.ones((c, 1), jnp.float32)
    s = jax.lax.dot_general(jnp.exp(logits), ones, (((1,), (0,)), ((), ())),
                            preferred_element_type=jnp.float32)
    v = valid_ref[0, 0, :]
    part = jnp.log(s)

    @pl.when(i == 0)
    def _init():
        acc_ref[...] = part
        vacc_ref[...] = v.reshape(1, tn)

    @pl.when(i != 0)
    def _acc():
        acc_ref[...] += part
        vacc_ref[...] += v.reshape(1, tn)

    @pl.when(i == nsteps - 1)
    def _final():
        tot_ref[...] = jnp.sum(acc_ref[...]).reshape(1, 1)
        cnt_ref[...] = jnp.sum(vacc_ref[...]).reshape(1, 1)


def _make_pos_kernel(N, C, D, NW, CHUNK):
    per_w = N // NW
    n_chunks = per_w // CHUNK
    mesh = plsc.VectorSubcoreMesh(core_axis_name="c", subcore_axis_name="s")
    info = plsc.get_sparse_core_info()
    nc = info.num_cores

    SUB = 80
    n_sub = CHUNK // SUB

    @functools.partial(
        pl.kernel, mesh=mesh,
        out_type=jax.ShapeDtypeStruct((NW, 16), jnp.float32),
        scratch_types=[
            pltpu.VMEM((CHUNK,), jnp.int32),
            pltpu.VMEM((CHUNK, 128), jnp.float32),
            pltpu.VMEM((CHUNK, D), jnp.float32),
            pltpu.VMEM((16,), jnp.float32),
            pltpu.SemaphoreType.DMA,
            pltpu.SemaphoreType.DMA,
        ],
    )
    def pos_kernel(lab_hbm, emb_hbm, w_hbm, out_hbm,
                   idx_v, wrow_v, erow_v, accv, sem, sem_e):
        wid = lax.axis_index("s") * nc + lax.axis_index("c")
        base = wid * per_w

        def chunk_body(ci, accs):
            off = base + ci * CHUNK
            ecp = pltpu.async_copy(emb_hbm.at[pl.ds(off, CHUNK), :],
                                   erow_v, sem_e)
            pltpu.sync_copy(lab_hbm.at[pl.ds(off, CHUNK)], idx_v)
            cps = [pltpu.async_copy(
                       w_hbm.at[idx_v.at[pl.ds(k * SUB, SUB)]],
                       wrow_v.at[pl.ds(k * SUB, SUB), :], sem)
                   for k in range(n_sub)]
            for cp in cps:
                cp.wait()
            ecp.wait()

            def tok_body(j4, a):
                a0, a1, a2, a3 = a
                j = j4 * 4
                for u in range(4):
                    a0 += (erow_v[j + u, pl.ds(0, 16)] *
                           wrow_v[j + u, pl.ds(0, 16)])
                    a1 += (erow_v[j + u, pl.ds(16, 16)] *
                           wrow_v[j + u, pl.ds(16, 16)])
                    a2 += (erow_v[j + u, pl.ds(32, 16)] *
                           wrow_v[j + u, pl.ds(32, 16)])
                    a3 += (erow_v[j + u, pl.ds(48, 16)] *
                           wrow_v[j + u, pl.ds(48, 16)])
                return (a0, a1, a2, a3)

            return lax.fori_loop(0, CHUNK // 4, tok_body, accs)

        z = jnp.zeros((16,), jnp.float32)
        a0, a1, a2, a3 = lax.fori_loop(0, n_chunks, chunk_body, (z, z, z, z))
        accv[...] = (a0 + a1) + (a2 + a3)
        pltpu.sync_copy(accv, out_hbm.at[wid])

    return pos_kernel


def kernel(model_embeddings, positive_labels, negative_labels, padding_mask,
           target_padding_mask, item_weight):
    B, S, D = model_embeddings.shape
    C = item_weight.shape[0]
    P = target_padding_mask.shape[2]
    N = B * S

    emb = model_embeddings.reshape(N, D)
    labels = positive_labels[..., 0].reshape(N).astype(jnp.int32)
    if P == 1:
        tpm = target_padding_mask[..., 0]
    else:
        tpm = target_padding_mask.sum(-1).astype(bool)
    valid = (tpm.reshape(N) & target_padding_mask.reshape(N, P)[:, 0]
             ).astype(jnp.float32)

    TN = 5120
    num_tiles = N // TN
    val3 = valid.reshape(num_tiles, 1, TN)

    tot, cnt = pl.pallas_call(
        _lse_kernel,
        grid=(num_tiles,),
        in_specs=[
            pl.BlockSpec((1, 1, TN), lambda i: (i, 0, 0)),
            pl.BlockSpec((TN, D), lambda i: (i, 0)),
            pl.BlockSpec((C, D), lambda i: (0, 0)),
        ],
        out_specs=[
            pl.BlockSpec((1, 1), lambda i: (0, 0)),
            pl.BlockSpec((1, 1), lambda i: (0, 0)),
        ],
        out_shape=[
            jax.ShapeDtypeStruct((1, 1), jnp.float32),
            jax.ShapeDtypeStruct((1, 1), jnp.float32),
        ],
        scratch_shapes=[
            pltpu.VMEM((TN, 1), jnp.float32),
            pltpu.VMEM((1, TN), jnp.float32),
        ],
    )(val3, emb, item_weight)

    NW = 32
    pos_kernel = _make_pos_kernel(N, C, D, NW, CHUNK=400)
    w_pad = jnp.pad(item_weight, ((0, 0), (0, 128 - D)))
    pos_parts = pos_kernel(labels, emb, w_pad)
    possum = jnp.sum(pos_parts)

    return (tot[0, 0] - possum) / cnt[0, 0]

# --- scband reference (transcript-rebuilt; emitter-appended) ---
"""Pipeline reference for scband-log-out-ce-27805618275028 (READ-ONLY COPY).

The authoritative reference and input builder live on the scoring server;
editing this copy changes nothing except your own understanding.
"""

import jax, jax.numpy as jnp
import numpy as np

NEG_INF = -1e9


def setup_inputs(seed: int = 0) -> dict:
    key = jax.random.key(seed)
    k1, k2, k3, k4 = jax.random.split(key, 4)
    B, S, D, C, P = 1024, 50, 64, 1000, 1
    model_embeddings = jax.random.normal(k1, (B, S, D), dtype=jnp.float32)
    positive_labels = jax.random.randint(k2, (B, S, P), 0, C)
    negative_labels = jax.random.randint(k3, (B, S, P), 0, C)
    padding_mask = jnp.ones((B, S), dtype=bool)
    target_padding_mask = jnp.ones((B, S, P), dtype=bool)
    # learned logits head (logits_callback): item embedding table [cardinality, D]
    item_weight = jax.random.normal(k4, (C, D), dtype=jnp.float32) * 0.02
    return {
        "model_embeddings": model_embeddings,
        "positive_labels": positive_labels,
        "negative_labels": negative_labels,
        "padding_mask": padding_mask,
        "target_padding_mask": target_padding_mask,
        "item_weight": item_weight,
    }


def reference(model_embeddings, positive_labels, negative_labels, padding_mask, target_padding_mask, item_weight):
    C = item_weight.shape[0]
    initial_tpm = target_padding_mask
    P = target_padding_mask.shape[2]
    if P == 1:
        tpm = target_padding_mask[..., 0]
    else:
        tpm = target_padding_mask.sum(-1).astype(bool)
    # logits_callback: full-catalog logits via inner product head
    logits_full = jnp.einsum("bsd,cd->bsc", model_embeddings, item_weight)
    B, S = tpm.shape
    N = B * S
    logits = logits_full.reshape(N, C)             # [N, C]
    pos_labels = positive_labels.reshape(N, P)     # [N, P]
    tpm_flat = tpm.reshape(N)                      # [N]
    tpm2 = initial_tpm.reshape(N, P)               # [N, P]
    positive_logits = jnp.take_along_axis(logits, pos_labels, axis=1)  # [N, P]
    # mask negative logits coinciding with positive labels (whole catalog as negatives)
    all_neg = jnp.arange(C)
    coincide = (pos_labels[:, :, None] == all_neg[None, None, :]).any(axis=1)  # [N, C]
    negative_logits = jnp.where(coincide, NEG_INF, logits)  # [N, C]
    negative_logits = jnp.broadcast_to(negative_logits[:, None, :], (N, P, C))
    cat_logits = jnp.concatenate((positive_logits[:, :, None], negative_logits), axis=-1)  # [N, P, C+1]
    # CrossEntropyLoss with target = 0, mean reduction over valid (mask-selected) elements
    lse = jax.scipy.special.logsumexp(cat_logits, axis=-1)  # [N, P]
    valid = tpm_flat[:, None] & tpm2               # [N, P]
    vals = jnp.where(valid, lse - positive_logits, 0.0)
    count = valid.sum()
    loss = vals.sum() / count
    return loss

if __name__ == "__main__":
    import jax
    _d = setup_inputs()
    print(jax.jit(kernel)(*tuple(_d.values())))

</pallas_src>

<mosaic_0001>
#map = affine_map<(d0, d1) -> (0)>
#map1 = affine_map<(d0, d1) -> (0, 0)>
module attributes {stable_mosaic.version = 14 : i64} {
  func.func @pos_kernel(%arg0: i32, %arg1: i32, %arg2: memref<51200xi32, #tpu.memory_space<hbm>>, %arg3: memref<51200x64xf32, #tpu.memory_space<hbm>>, %arg4: memref<1000x128xf32, #tpu.memory_space<hbm>>, %arg5: memref<32x16xf32, #tpu.memory_space<hbm>>, %arg6: memref<400xi32, #tpu.memory_space<vmem>>, %arg7: memref<400x128xf32, #tpu.memory_space<vmem>>, %arg8: memref<400x64xf32, #tpu.memory_space<vmem>>, %arg9: memref<16xf32, #tpu.memory_space<vmem>>, %arg10: memref<!tpu.dma_semaphore, #tpu.memory_space<semaphore_mem>>, %arg11: memref<!tpu.dma_semaphore, #tpu.memory_space<semaphore_mem>>) attributes {dimension_semantics = [#tpu.dimension_semantics<core_parallel>, #tpu.dimension_semantics<subcore_parallel>], iteration_bounds = array<i64: 2, 16>, scalar_prefetch = 0 : i64, scratch_operands = 6 : i64, tpu.core_type = #tpu.core_type<sc_vector_subcore>, window_params = [{transform_indices = #map}, {transform_indices = #map1}, {transform_indices = #map1}, {transform_indices = #map1}]} {
    %mul3A = arith.constant 2 : i32
    %mul3A_0 = arith.muli %arg1, %mul3A : i32
    %add3A = arith.addi %mul3A_0, %arg0 : i32
    %mul3A_1 = arith.constant 1600 : i32
    %mul3A_2 = arith.muli %add3A, %mul3A_1 : i32
    %broadcast_in_dim3A = arith.constant 0.000000e+00 : f32
    %broadcast_in_dim3A_3 = vector.broadcast %broadcast_in_dim3A : f32 to vector<16xf32>
    %scan3A = arith.constant 0 : i32
    %scan3A_4 = arith.constant 4 : i32
    %scan3A_5 = arith.addi %scan3A, %scan3A_4 : i32
    %scan3A_6 = arith.constant 1 : i32
    %scan3A_7:4 = scf.for %scan3A_15 = %scan3A to %scan3A_5 step %scan3A_6 iter_args(%scan3A_16 = %broadcast_in_dim3A_3, %scan3A_17 = %broadcast_in_dim3A_3, %scan3A_18 = %broadcast_in_dim3A_3, %scan3A_19 = %broadcast_in_dim3A_3) -> (vector<16xf32>, vector<16xf32>, vector<16xf32>, vector<16xf32>)  : i32 {
      %mul3A_20 = arith.constant 400 : i32
      %mul3A_21 = arith.muli %scan3A_15, %mul3A_20 : i32
      %add3A_22 = arith.addi %mul3A_2, %mul3A_21 : i32
      %dma_start3A = arith.constant 0 : i32
      %dma_start3A_23 = tpu.memref_slice %arg3[%add3A_22, %dma_start3A] : memref<51200x64xf32, #tpu.memory_space<hbm>> -> memref<400x64xf32, #tpu.memory_space<hbm>>
      %dma_start3A_24 = arith.constant 0 : i32
      %dma_start3A_25 = tpu.memref_slice %arg3[%add3A_22, %dma_start3A_24] : memref<51200x64xf32, #tpu.memory_space<hbm>> -> memref<400x64xf32, #tpu.memory_space<hbm>>
      tpu.enqueue_dma source(%dma_start3A_25 : memref<400x64xf32, #tpu.memory_space<hbm>>) target(%arg8 : memref<400x64xf32, #tpu.memory_space<vmem>>) target_semaphore(%arg11 : memref<!tpu.dma_semaphore, #tpu.memory_space<semaphore_mem>>)
      "tpu.region"() ({
        %run_scoped3A = tpu.sem_alloc : memref<!tpu.dma_semaphore, #tpu.memory_space<semaphore_mem>>
        %dma_start3A_115 = tpu.memref_slice %arg2[%add3A_22] : memref<51200xi32, #tpu.memory_space<hbm>> -> memref<400xi32, #tpu.memory_space<hbm>>
        %dma_start3A_116 = tpu.memref_slice %arg2[%add3A_22] : memref<51200xi32, #tpu.memory_space<hbm>> -> memref<400xi32, #tpu.memory_space<hbm>>
        tpu.enqueue_dma source(%dma_start3A_116 : memref<400xi32, #tpu.memory_space<hbm>>) target(%arg6 : memref<400xi32, #tpu.memory_space<vmem>>) target_semaphore(%run_scoped3A : memref<!tpu.dma_semaphore, #tpu.memory_space<semaphore_mem>>)
        %dma_wait3A_117 = tpu.memref_slice %arg2[%add3A_22] : memref<51200xi32, #tpu.memory_space<hbm>> -> memref<400xi32, #tpu.memory_space<hbm>>
        %dma_wait3A_118 = tpu.memref_slice %arg2[%add3A_22] : memref<51200xi32, #tpu.memory_space<hbm>> -> memref<400xi32, #tpu.memory_space<hbm>>
        tpu.wait_dma2 semaphore(%run_scoped3A : memref<!tpu.dma_semaphore, #tpu.memory_space<semaphore_mem>>) src(%dma_wait3A_118 : memref<400xi32, #tpu.memory_space<hbm>>) dst(%arg6 : memref<400xi32, #tpu.memory_space<vmem>>)
        tpu.yield
      }) : () -> ()
      %dma_start3A_26 = arith.constant 0 : i32
      %dma_start3A_27 = arith.constant 0 : i32
      %dma_start3A_28 = tpu.memref_slice %arg7[%dma_start3A_26, %dma_start3A_27] : memref<400x128xf32, #tpu.memory_space<vmem>> -> memref<80x128xf32, #tpu.memory_space<vmem>>
      %dma_start3A_29 = arith.constant 0 : i32
      %dma_start3A_30 = tpu.memref_slice %arg6[%dma_start3A_29] : memref<400xi32, #tpu.memory_space<vmem>> -> memref<80xi32, #tpu.memory_space<vmem>>
      %dma_start3A_31 = arith.constant 0 : i32
      %dma_start3A_32 = arith.constant 0 : i32
      %dma_start3A_33 = tpu.memref_slice %arg4[%dma_start3A_31, %dma_start3A_32] : memref<1000x128xf32, #tpu.memory_space<hbm>> -> memref<1000x128xf32, #tpu.memory_space<hbm>>
      tpu.enqueue_indirect_dma source(%dma_start3A_33 : memref<1000x128xf32, #tpu.memory_space<hbm>>) target(%dma_start3A_28 : memref<80x128xf32, #tpu.memory_space<vmem>>) offsets(%dma_start3A_30 : memref<80xi32, #tpu.memory_space<vmem>>) semaphore(%arg10 : memref<!tpu.dma_semaphore, #tpu.memory_space<semaphore_mem>>)
      %dma_start3A_34 = arith.constant 80 : i32
      %dma_start3A_35 = arith.constant 0 : i32
      %dma_start3A_36 = tpu.memref_slice %arg7[%dma_start3A_34, %dma_start3A_35] : memref<400x128xf32, #tpu.memory_space<vmem>> -> memref<80x128xf32, #tpu.memory_space<vmem>>
      %dma_start3A_37 = arith.constant 80 : i32
      %dma_start3A_38 = tpu.memref_slice %arg6[%dma_start3A_37] : memref<400xi32, #tpu.memory_space<vmem>> -> memref<80xi32, #tpu.memory_space<vmem>>
      %dma_start3A_39 = arith.constant 0 : i32
      %dma_start3A_40 = arith.constant 0 : i32
      %dma_start3A_41 = tpu.memref_slice %arg4[%dma_start3A_39, %dma_start3A_40] : memref<1000x128xf32, #tpu.memory_space<hbm>> -> memref<1000x128xf32, #tpu.memory_space<hbm>>
      tpu.enqueue_indirect_dma source(%dma_start3A_41 : memref<1000x128xf32, #tpu.memory_space<hbm>>) target(%dma_start3A_36 : memref<80x128xf32, #tpu.memory_space<vmem>>) offsets(%dma_start3A_38 : memref<80xi32, #tpu.memory_space<vmem>>) semaphore(%arg10 : memref<!tpu.dma_semaphore, #tpu.memory_space<semaphore_mem>>)
      %dma_start3A_42 = arith.constant 160 : i32
      %dma_start3A_43 = arith.constant 0 : i32
      %dma_start3A_44 = tpu.memref_slice %arg7[%dma_start3A_42, %dma_start3A_43] : memref<400x128xf32, #tpu.memory_space<vmem>> -> memref<80x128xf32, #tpu.memory_space<vmem>>
      %dma_start3A_45 = arith.constant 160 : i32
      %dma_start3A_46 = tpu.memref_slice %arg6[%dma_start3A_45] : memref<400xi32, #tpu.memory_space<vmem>> -> memref<80xi32, #tpu.memory_space<vmem>>
      %dma_start3A_47 = arith.constant 0 : i32
      %dma_start3A_48 = arith.constant 0 : i32
      %dma_start3A_49 = tpu.memref_slice %arg4[%dma_start3A_47, %dma_start3A_48] : memref<1000x128xf32, #tpu.memory_space<hbm>> -> memref<1000x128xf32, #tpu.memory_space<hbm>>
      tpu.enqueue_indirect_dma source(%dma_start3A_49 : memref<1000x128xf32, #tpu.memory_space<hbm>>) target(%dma_start3A_44 : memref<80x128xf32, #tpu.memory_space<vmem>>) offsets(%dma_start3A_46 : memref<80xi32, #tpu.memory_space<vmem>>) semaphore(%arg10 : memref<!tpu.dma_semaphore, #tpu.memory_space<semaphore_mem>>)
      %dma_start3A_50 = arith.constant 240 : i32
      %dma_start3A_51 = arith.constant 0 : i32
      %dma_start3A_52 = tpu.memref_slice %arg7[%dma_start3A_50, %dma_start3A_51] : memref<400x128xf32, #tpu.memory_space<vmem>> -> memref<80x128xf32, #tpu.memory_space<vmem>>
      %dma_start3A_53 = arith.constant 240 : i32
      %dma_start3A_54 = tpu.memref_slice %arg6[%dma_start3A_53] : memref<400xi32, #tpu.memory_space<vmem>> -> memref<80xi32, #tpu.memory_space<vmem>>
      %dma_start3A_55 = arith.constant 0 : i32
      %dma_start3A_56 = arith.constant 0 : i32
      %dma_start3A_57 = tpu.memref_slice %arg4[%dma_start3A_55, %dma_start3A_56] : memref<1000x128xf32, #tpu.memory_space<hbm>> -> memref<1000x128xf32, #tpu.memory_space<hbm>>
      tpu.enqueue_indirect_dma source(%dma_start3A_57 : memref<1000x128xf32, #tpu.memory_space<hbm>>) target(%dma_start3A_52 : memref<80x128xf32, #tpu.memory_space<vmem>>) offsets(%dma_start3A_54 : memref<80xi32, #tpu.memory_space<vmem>>) semaphore(%arg10 : memref<!tpu.dma_semaphore, #tpu.memory_space<semaphore_mem>>)
      %dma_start3A_58 = arith.constant 320 : i32
      %dma_start3A_59 = arith.constant 0 : i32
      %dma_start3A_60 = tpu.memref_slice %arg7[%dma_start3A_58, %dma_start3A_59] : memref<400x128xf32, #tpu.memory_space<vmem>> -> memref<80x128xf32, #tpu.memory_space<vmem>>
      %dma_start3A_61 = arith.constant 320 : i32
      %dma_start3A_62 = tpu.memref_slice %arg6[%dma_start3A_61] : memref<400xi32, #tpu.memory_space<vmem>> -> memref<80xi32, #tpu.memory_space<vmem>>
      %dma_start3A_63 = arith.constant 0 : i32
      %dma_start3A_64 = arith.constant 0 : i32
      %dma_start3A_65 = tpu.memref_slice %arg4[%dma_start3A_63, %dma_start3A_64] : memref<1000x128xf32, #tpu.memory_space<hbm>> -> memref<1000x128xf32, #tpu.memory_space<hbm>>
      tpu.enqueue_indirect_dma source(%dma_start3A_65 : memref<1000x128xf32, #tpu.memory_space<hbm>>) target(%dma_start3A_60 : memref<80x128xf32, #tpu.memory_space<vmem>>) offsets(%dma_start3A_62 : memref<80xi32, #tpu.memory_space<vmem>>) semaphore(%arg10 : memref<!tpu.dma_semaphore, #tpu.memory_space<semaphore_mem>>)
      %dma_wait3A = arith.constant 0 : i32
      %dma_wait3A_66 = arith.constant 0 : i32
      %dma_wait3A_67 = tpu.memref_slice %arg7[%dma_wait3A, %dma_wait3A_66] : memref<400x128xf32, #tpu.memory_space<vmem>> -> memref<80x128xf32, #tpu.memory_space<vmem>>
      %dma_wait3A_68 = arith.constant 0 : i32
      %dma_wait3A_69 = tpu.memref_slice %arg6[%dma_wait3A_68] : memref<400xi32, #tpu.memory_space<vmem>> -> memref<80xi32, #tpu.memory_space<vmem>>
      %dma_wait3A_70 = arith.constant 0 : i32
      %dma_wait3A_71 = arith.constant 0 : i32
      %dma_wait3A_72 = tpu.memref_slice %arg4[%dma_wait3A_70, %dma_wait3A_71] : memref<1000x128xf32, #tpu.memory_space<hbm>> -> memref<1000x128xf32, #tpu.memory_space<hbm>>
      tpu.wait_indirect_dma semaphore(%arg10 : memref<!tpu.dma_semaphore, #tpu.memory_space<semaphore_mem>>) src(%dma_wait3A_72 : memref<1000x128xf32, #tpu.memory_space<hbm>>) dst(%dma_wait3A_67 : memref<80x128xf32, #tpu.memory_space<vmem>>)
      %dma_wait3A_73 = arith.constant 80 : i32
      %dma_wait3A_74 = arith.constant 0 : i32
      %dma_wait3A_75 = tpu.memref_slice %arg7[%dma_wait3A_73, %dma_wait3A_74] : memref<400x128xf32, #tpu.memory_space<vmem>> -> memref<80x128xf32, #tpu.memory_space<vmem>>
      %dma_wait3A_76 = arith.constant 80 : i32
      %dma_wait3A_77 = tpu.memref_slice %arg6[%dma_wait3A_76] : memref<400xi32, #tpu.memory_space<vmem>> -> memref<80xi32, #tpu.memory_space<vmem>>
      %dma_wait3A_78 = arith.constant 0 : i32
      %dma_wait3A_79 = arith.constant 0 : i32
      %dma_wait3A_80 = tpu.memref_slice %arg4[%dma_wait3A_78, %dma_wait3A_79] : memref<1000x128xf32, #tpu.memory_space<hbm>> -> memref<1000x128xf32, #tpu.memory_space<hbm>>
      tpu.wait_indirect_dma semaphore(%arg10 : memref<!tpu.dma_semaphore, #tpu.memory_space<semaphore_mem>>) src(%dma_wait3A_80 : memref<1000x128xf32, #tpu.memory_space<hbm>>) dst(%dma_wait3A_75 : memref<80x128xf32, #tpu.memory_space<vmem>>)
      %dma_wait3A_81 = arith.constant 160 : i32
      %dma_wait3A_82 = arith.constant 0 : i32
      %dma_wait3A_83 = tpu.memref_slice %arg7[%dma_wait3A_81, %dma_wait3A_82] : memref<400x128xf32, #tpu.memory_space<vmem>> -> memref<80x128xf32, #tpu.memory_space<vmem>>
      %dma_wait3A_84 = arith.constant 160 : i32
      %dma_wait3A_85 = tpu.memref_slice %arg6[%dma_wait3A_84] : memref<400xi32, #tpu.memory_space<vmem>> -> memref<80xi32, #tpu.memory_space<vmem>>
      %dma_wait3A_86 = arith.constant 0 : i32
      %dma_wait3A_87 = arith.constant 0 : i32
      %dma_wait3A_88 = tpu.memref_slice %arg4[%dma_wait3A_86, %dma_wait3A_87] : memref<1000x128xf32, #tpu.memory_space<hbm>> -> memref<1000x128xf32, #tpu.memory_space<hbm>>
      tpu.wait_indirect_dma semaphore(%arg10 : memref<!tpu.dma_semaphore, #tpu.memory_space<semaphore_mem>>) src(%dma_wait3A_88 : memref<1000x128xf32, #tpu.memory_space<hbm>>) dst(%dma_wait3A_83 : memref<80x128xf32, #tpu.memory_space<vmem>>)
      %dma_wait3A_89 = arith.constant 240 : i32
      %dma_wait3A_90 = arith.constant 0 : i32
      %dma_wait3A_91 = tpu.memref_slice %arg7[%dma_wait3A_89, %dma_wait3A_90] : memref<400x128xf32, #tpu.memory_space<vmem>> -> memref<80x128xf32, #tpu.memory_space<vmem>>
      %dma_wait3A_92 = arith.constant 240 : i32
      %dma_wait3A_93 = tpu.memref_slice %arg6[%dma_wait3A_92] : memref<400xi32, #tpu.memory_space<vmem>> -> memref<80xi32, #tpu.memory_space<vmem>>
      %dma_wait3A_94 = arith.constant 0 : i32
      %dma_wait3A_95 = arith.constant 0 : i32
      %dma_wait3A_96 = tpu.memref_slice %arg4[%dma_wait3A_94, %dma_wait3A_95] : memref<1000x128xf32, #tpu.memory_space<hbm>> -> memref<1000x128xf32, #tpu.memory_space<hbm>>
      tpu.wait_indirect_dma semaphore(%arg10 : memref<!tpu.dma_semaphore, #tpu.memory_space<semaphore_mem>>) src(%dma_wait3A_96 : memref<1000x128xf32, #tpu.memory_space<hbm>>) dst(%dma_wait3A_91 : memref<80x128xf32, #tpu.memory_space<vmem>>)
      %dma_wait3A_97 = arith.constant 320 : i32
      %dma_wait3A_98 = arith.constant 0 : i32
      %dma_wait3A_99 = tpu.memref_slice %arg7[%dma_wait3A_97, %dma_wait3A_98] : memref<400x128xf32, #tpu.memory_space<vmem>> -> memref<80x128xf32, #tpu.memory_space<vmem>>
      %dma_wait3A_100 = arith.constant 320 : i32
      %dma_wait3A_101 = tpu.memref_slice %arg6[%dma_wait3A_100] : memref<400xi32, #tpu.memory_space<vmem>> -> memref<80xi32, #tpu.memory_space<vmem>>
      %dma_wait3A_102 = arith.constant 0 : i32
      %dma_wait3A_103 = arith.constant 0 : i32
      %dma_wait3A_104 = tpu.memref_slice %arg4[%dma_wait3A_102, %dma_wait3A_103] : memref<1000x128xf32, #tpu.memory_space<hbm>> -> memref<1000x128xf32, #tpu.memory_space<hbm>>
      tpu.wait_indirect_dma semaphore(%arg10 : memref<!tpu.dma_semaphore, #tpu.memory_space<semaphore_mem>>) src(%dma_wait3A_104 : memref<1000x128xf32, #tpu.memory_space<hbm>>) dst(%dma_wait3A_99 : memref<80x128xf32, #tpu.memory_space<vmem>>)
      %dma_wait3A_105 = arith.constant 0 : i32
      %dma_wait3A_106 = tpu.memref_slice %arg3[%add3A_22, %dma_wait3A_105] : memref<51200x64xf32, #tpu.memory_space<hbm>> -> memref<400x64xf32, #tpu.memory_space<hbm>>
      %dma_wait3A_107 = arith.constant 0 : i32
      %dma_wait3A_108 = tpu.memref_slice %arg3[%add3A_22, %dma_wait3A_107] : memref<51200x64xf32, #tpu.memory_space<hbm>> -> memref<400x64xf32, #tpu.memory_space<hbm>>
      tpu.wait_dma2 semaphore(%arg11 : memref<!tpu.dma_semaphore, #tpu.memory_space<semaphore_mem>>) src(%dma_wait3A_108 : memref<400x64xf32, #tpu.memory_space<hbm>>) dst(%arg8 : memref<400x64xf32, #tpu.memory_space<vmem>>)
      %scan3A_109 = arith.constant 0 : i32
      %scan3A_110 = arith.constant 100 : i32
      %scan3A_111 = arith.addi %scan3A_109, %scan3A_110 : i32
      %scan3A_112 = arith.constant 1 : i32
      %scan3A_113:4 = scf.for %scan3A_115 = %scan3A_109 to %scan3A_111 step %scan3A_112 iter_args(%scan3A_116 = %scan3A_16, %scan3A_117 = %scan3A_17, %scan3A_118 = %scan3A_18, %scan3A_119 = %scan3A_19) -> (vector<16xf32>, vector<16xf32>, vector<16xf32>, vector<16xf32>)  : i32 {
        %mul3A_120 = arith.constant 4 : i32
        %mul3A_121 = arith.muli %scan3A_115, %mul3A_120 : i32
        %add3A_122 = arith.constant 0 : i32
        %add3A_123 = arith.addi %mul3A_121, %add3A_122 : i32
        %get3A = arith.index_cast %add3A_123 : i32 to index
        %get3A_124 = arith.constant 0 : index
        %get3A_125 = tpu.vector_load %arg8[%get3A, %get3A_124] {strides = array<i32>} : memref<400x64xf32, #tpu.memory_space<vmem>>, vector<1x16xf32>,
        %get3A_126 = vector.shape_cast %get3A_125 : vector<1x16xf32> to vector<16xf32>
        %add3A_127 = arith.constant 0 : i32
        %add3A_128 = arith.addi %mul3A_121, %add3A_127 : i32
        %get3A_129 = arith.index_cast %add3A_128 : i32 to index
        %get3A_130 = arith.constant 0 : index
        %get3A_131 = tpu.vector_load %arg7[%get3A_129, %get3A_130] {strides = array<i32>} : memref<400x128xf32, #tpu.memory_space<vmem>>, vector<1x16xf32>,
        %get3A_132 = vector.shape_cast %get3A_131 : vector<1x16xf32> to vector<16xf32>
        %mul3A_133 = arith.mulf %get3A_126, %get3A_132 : vector<16xf32>
        %add3A_134 = arith.addf %scan3A_116, %mul3A_133 : vector<16xf32>
        %add3A_135 = arith.constant 0 : i32
        %add3A_136 = arith.addi %mul3A_121, %add3A_135 : i32
        %get3A_137 = arith.index_cast %add3A_136 : i32 to index
        %get3A_138 = arith.constant 16 : index
        %get3A_139 = tpu.vector_load %arg8[%get3A_137, %get3A_138] {strides = array<i32>} : memref<400x64xf32, #tpu.memory_space<vmem>>, vector<1x16xf32>,
        %get3A_140 = vector.shape_cast %get3A_139 : vector<1x16xf32> to vector<16xf32>
        %add3A_141 = arith.constant 0 : i32
        %add3A_142 = arith.addi %mul3A_121, %add3A_141 : i32
        %get3A_143 = arith.index_cast %add3A_142 : i32 to index
        %get3A_144 = arith.constant 16 : index
        %get3A_145 = tpu.vector_load %arg7[%get3A_143, %get3A_144] {strides = array<i32>} : memref<400x128xf32, #tpu.memory_space<vmem>>, vector<1x16xf32>,
        %get3A_146 = vector.shape_cast %get3A_145 : vector<1x16xf32> to vector<16xf32>
        %mul3A_147 = arith.mulf %get3A_140, %get3A_146 : vector<16xf32>
        %add3A_148 = arith.addf %scan3A_117, %mul3A_147 : vector<16xf32>
        %add3A_149 = arith.constant 0 : i32
        %add3A_150 = arith.addi %mul3A_121, %add3A_149 : i32
        %get3A_151 = arith.index_cast %add3A_150 : i32 to index
        %get3A_152 = arith.constant 32 : index
        %get3A_153 = tpu.vector_load %arg8[%get3A_151, %get3A_152] {strides = array<i32>} : memref<400x64xf32, #tpu.memory_space<vmem>>, vector<1x16xf32>,
        %get3A_154 = vector.shape_cast %get3A_153 : vector<1x16xf32> to vector<16xf32>
        %add3A_155 = arith.constant 0 : i32
        %add3A_156 = arith.addi %mul3A_121, %add3A_155 : i32
        %get3A_157 = arith.index_cast %add3A_156 : i32 to index
        %get3A_158 = arith.constant 32 : index
        %get3A_159 = tpu.vector_load %arg7[%get3A_157, %get3A_158] {strides = array<i32>} : memref<400x128xf32, #tpu.memory_space<vmem>>, vector<1x16xf32>,
        %get3A_160 = vector.shape_cast %get3A_159 : vector<1x16xf32> to vector<16xf32>
        %mul3A_161 = arith.mulf %get3A_154, %get3A_160 : vector<16xf32>
        %add3A_162 = arith.addf %scan3A_118, %mul3A_161 : vector<16xf32>
        %add3A_163 = arith.constant 0 : i32
        %add3A_164 = arith.addi %mul3A_121, %add3A_163 : i32
        %get3A_165 = arith.index_cast %add3A_164 : i32 to index
        %get3A_166 = arith.constant 48 : index
        %get3A_167 = tpu.vector_load %arg8[%get3A_165, %get3A_166] {strides = array<i32>} : memref<400x64xf32, #tpu.memory_space<vmem>>, vector<1x16xf32>,
        %get3A_168 = vector.shape_cast %get3A_167 : vector<1x16xf32> to vector<16xf32>
        %add3A_169 = arith.constant 0 : i32
        %add3A_170 = arith.addi %mul3A_121, %add3A_169 : i32
        %get3A_171 = arith.index_cast %add3A_170 : i32 to index
        %get3A_172 = arith.constant 48 : index
        %get3A_173 = tpu.vector_load %arg7[%get3A_171, %get3A_172] {strides = array<i32>} : memref<400x128xf32, #tpu.memory_space<vmem>>, vector<1x16xf32>,
        %get3A_174 = vector.shape_cast %get3A_173 : vector<1x16xf32> to vector<16xf32>
        %mul3A_175 = arith.mulf %get3A_168, %get3A_174 : vector<16xf32>
        %add3A_176 = arith.addf %scan3A_119, %mul3A_175 : vector<16xf32>
        %add3A_177 = arith.constant 1 : i32
        %add3A_178 = arith.addi %mul3A_121, %add3A_177 : i32
        %get3A_179 = arith.index_cast %add3A_178 : i32 to index
        %get3A_180 = arith.constant 0 : index
        %get3A_181 = tpu.vector_load %arg8[%get3A_179, %get3A_180] {strides = array<i32>} : memref<400x64xf32, #tpu.memory_space<vmem>>, vector<1x16xf32>,
        %get3A_182 = vector.shape_cast %get3A_181 : vector<1x16xf32> to vector<16xf32>
        %add3A_183 = arith.constant 1 : i32
        %add3A_184 = arith.addi %mul3A_121, %add3A_183 : i32
        %get3A_185 = arith.index_cast %add3A_184 : i32 to index
        %get3A_186 = arith.constant 0 : index
        %get3A_187 = tpu.vector_load %arg7[%get3A_185, %get3A_186] {strides = array<i32>} : memref<400x128xf32, #tpu.memory_space<vmem>>, vector<1x16xf32>,
        %get3A_188 = vector.shape_cast %get3A_187 : vector<1x16xf32> to vector<16xf32>
        %mul3A_189 = arith.mulf %get3A_182, %get3A_188 : vector<16xf32>
        %add3A_190 = arith.addf %add3A_134, %mul3A_189 : vector<16xf32>
        %add3A_191 = arith.constant 1 : i32
        %add3A_192 = arith.addi %mul3A_121, %add3A_191 : i32
        %get3A_193 = arith.index_cast %add3A_192 : i32 to index
        %get3A_194 = arith.constant 16 : index
        %get3A_195 = tpu.vector_load %arg8[%get3A_193, %get3A_194] {strides = array<i32>} : memref<400x64xf32, #tpu.memory_space<vmem>>, vector<1x16xf32>,
        %get3A_196 = vector.shape_cast %get3A_195 : vector<1x16xf32> to vector<16xf32>
        %add3A_197 = arith.constant 1 : i32
        %add3A_198 = arith.addi %mul3A_121, %add3A_197 : i32
        %get3A_199 = arith.index_cast %add3A_198 : i32 to index
        %get3A_200 = arith.constant 16 : index
        %get3A_201 = tpu.vector_load %arg7[%get3A_199, %get3A_200] {strides = array<i32>} : memref<400x128xf32, #tpu.memory_space<vmem>>, vector<1x16xf32>,
        %get3A_202 = vector.shape_cast %get3A_201 : vector<1x16xf32> to vector<16xf32>
        %mul3A_203 = arith.mulf %get3A_196, %get3A_202 : vector<16xf32>
        %add3A_204 = arith.addf %add3A_148, %mul3A_203 : vector<16xf32>
        %add3A_205 = arith.constant 1 : i32
        %add3A_206 = arith.addi %mul3A_121, %add3A_205 : i32
        %get3A_207 = arith.index_cast %add3A_206 : i32 to index
        %get3A_208 = arith.constant 32 : index
        %get3A_209 = tpu.vector_load %arg8[%get3A_207, %get3A_208] {strides = array<i32>} : memref<400x64xf32, #tpu.memory_space<vmem>>, vector<1x16xf32>,
        %get3A_210 = vector.shape_cast %get3A_209 : vector<1x16xf32> to vector<16xf32>
        %add3A_211 = arith.constant 1 : i32
        %add3A_212 = arith.addi %mul3A_121, %add3A_211 : i32
        %get3A_213 = arith.index_cast %add3A_212 : i32 to index
        %get3A_214 = arith.constant 32 : index
        %get3A_215 = tpu.vector_load %arg7[%get3A_213, %get3A_214] {strides = array<i32>} : memref<400x128xf32, #tpu.memory_space<vmem>>, vector<1x16xf32>,
        %get3A_216 = vector.shape_cast %get3A_215 : vector<1x16xf32> to vector<16xf32>
        %mul3A_217 = arith.mulf %get3A_210, %get3A_216 : vector<16xf32>
        %add3A_218 = arith.addf %add3A_162, %mul3A_217 : vector<16xf32>
        %add3A_219 = arith.constant 1 : i32
        %add3A_220 = arith.addi %mul3A_121, %add3A_219 : i32
        %get3A_221 = arith.index_cast %add3A_220 : i32 to index
        %get3A_222 = arith.constant 48 : index
        %get3A_223 = tpu.vector_load %arg8[%get3A_221, %get3A_222] {strides = array<i32>} : memref<400x64xf32, #tpu.memory_space<vmem>>, vector<1x16xf32>,
        %get3A_224 = vector.shape_cast %get3A_223 : vector<1x16xf32> to vector<16xf32>
        %add3A_225 = arith.constant 1 : i32
        %add3A_226 = arith.addi %mul3A_121, %add3A_225 : i32
        %get3A_227 = arith.index_cast %add3A_226 : i32 to index
        %get3A_228 = arith.constant 48 : index
        %get3A_229 = tpu.vector_load %arg7[%get3A_227, %get3A_228] {strides = array<i32>} : memref<400x128xf32, #tpu.memory_space<vmem>>, vector<1x16xf32>,
        %get3A_230 = vector.shape_cast %get3A_229 : vector<1x16xf32> to vector<16xf32>
        %mul3A_231 = arith.mulf %get3A_224, %get3A_230 : vector<16xf32>
        %add3A_232 = arith.addf %add3A_176, %mul3A_231 : vector<16xf32>
        %add3A_233 = arith.constant 2 : i32
        %add3A_234 = arith.addi %mul3A_121, %add3A_233 : i32
        %get3A_235 = arith.index_cast %add3A_234 : i32 to index
        %get3A_236 = arith.constant 0 : index
        %get3A_237 = tpu.vector_load %arg8[%get3A_235, %get3A_236] {strides = array<i32>} : memref<400x64xf32, #tpu.memory_space<vmem>>, vector<1x16xf32>,
        %get3A_238 = vector.shape_cast %get3A_237 : vector<1x16xf32> to vector<16xf32>
        %add3A_239 = arith.constant 2 : i32
        %add3A_240 = arith.addi %mul3A_121, %add3A_239 : i32
        %get3A_241 = arith.index_cast %add3A_240 : i32 to index
        %get3A_242 = arith.constant 0 : index
        %get3A_243 = tpu.vector_load %arg7[%get3A_241, %get3A_242] {strides = array<i32>} : memref<400x128xf32, #tpu.memory_space<vmem>>, vector<1x16xf32>,
        %get3A_244 = vector.shape_cast %get3A_243 : vector<1x16xf32> to vector<16xf32>
        %mul3A_245 = arith.mulf %get3A_238, %get3A_244 : vector<16xf32>
        %add3A_246 = arith.addf %add3A_190, %mul3A_245 : vector<16xf32>
        %add3A_247 = arith.constant 2 : i32
        %add3A_248 = arith.addi %mul3A_121, %add3A_247 : i32
        %get3A_249 = arith.index_cast %add3A_248 : i32 to index
        %get3A_250 = arith.constant 16 : index
        %get3A_251 = tpu.vector_load %arg8[%get3A_249, %get3A_250] {strides = array<i32>} : memref<400x64xf32, #tpu.memory_space<vmem>>, vector<1x16xf32>,
        %get3A_252 = vector.shape_cast %get3A_251 : vector<1x16xf32> to vector<16xf32>
        %add3A_253 = arith.constant 2 : i32
        %add3A_254 = arith.addi %mul3A_121, %add3A_253 : i32
        %get3A_255 = arith.index_cast %add3A_254 : i32 to index
        %get3A_256 = arith.constant 16 : index
        %get3A_257 = tpu.vector_load %arg7[%get3A_255, %get3A_256] {strides = array<i32>} : memref<400x128xf32, #tpu.memory_space<vmem>>, vector<1x16xf32>,
        %get3A_258 = vector.shape_cast %get3A_257 : vector<1x16xf32> to vector<16xf32>
        %mul3A_259 = arith.mulf %get3A_252, %get3A_258 : vector<16xf32>
        %add3A_260 = arith.addf %add3A_204, %mul3A_259 : vector<16xf32>
        %add3A_261 = arith.constant 2 : i32
        %add3A_262 = arith.addi %mul3A_121, %add3A_261 : i32
        %get3A_263 = arith.index_cast %add3A_262 : i32 to index
        %get3A_264 = arith.constant 32 : index
        %get3A_265 = tpu.vector_load %arg8[%get3A_263, %get3A_264] {strides = array<i32>} : memref<400x64xf32, #tpu.memory_space<vmem>>, vector<1x16xf32>,
        %get3A_266 = vector.shape_cast %get3A_265 : vector<1x16xf32> to vector<16xf32>
        %add3A_267 = arith.constant 2 : i32
        %add3A_268 = arith.addi %mul3A_121, %add3A_267 : i32
        %get3A_269 = arith.index_cast %add3A_268 : i32 to index
        %get3A_270 = arith.constant 32 : index
        %get3A_271 = tpu.vector_load %arg7[%get3A_269, %get3A_270] {strides = array<i32>} : memref<400x128xf32, #tpu.memory_space<vmem>>, vector<1x16xf32>,
        %get3A_272 = vector.shape_cast %get3A_271 : vector<1x16xf32> to vector<16xf32>
        %mul3A_273 = arith.mulf %get3A_266, %get3A_272 : vector<16xf32>
        %add3A_274 = arith.addf %add3A_218, %mul3A_273 : vector<16xf32>
        %add3A_275 = arith.constant 2 : i32
        %add3A_276 = arith.addi %mul3A_121, %add3A_275 : i32
        %get3A_277 = arith.index_cast %add3A_276 : i32 to index
        %get3A_278 = arith.constant 48 : index
        %get3A_279 = tpu.vector_load %arg8[%get3A_277, %get3A_278] {strides = array<i32>} : memref<400x64xf32, #tpu.memory_space<vmem>>, vector<1x16xf32>,
        %get3A_280 = vector.shape_cast %get3A_279 : vector<1x16xf32> to vector<16xf32>
        %add3A_281 = arith.constant 2 : i32
        %add3A_282 = arith.addi %mul3A_121, %add3A_281 : i32
        %get3A_283 = arith.index_cast %add3A_282 : i32 to index
        %get3A_284 = arith.constant 48 : index
        %get3A_285 = tpu.vector_load %arg7[%get3A_283, %get3A_284] {strides = array<i32>} : memref<400x128xf32, #tpu.memory_space<vmem>>, vector<1x16xf32>,
        %get3A_286 = vector.shape_cast %get3A_285 : vector<1x16xf32> to vector<16xf32>
        %mul3A_287 = arith.mulf %get3A_280, %get3A_286 : vector<16xf32>
        %add3A_288 = arith.addf %add3A_232, %mul3A_287 : vector<16xf32>
        %add3A_289 = arith.constant 3 : i32
        %add3A_290 = arith.addi %mul3A_121, %add3A_289 : i32
        %get3A_291 = arith.index_cast %add3A_290 : i32 to index
        %get3A_292 = arith.constant 0 : index
        %get3A_293 = tpu.vector_load %arg8[%get3A_291, %get3A_292] {strides = array<i32>} : memref<400x64xf32, #tpu.memory_space<vmem>>, vector<1x16xf32>,
        %get3A_294 = vector.shape_cast %get3A_293 : vector<1x16xf32> to vector<16xf32>
        %add3A_295 = arith.constant 3 : i32
        %add3A_296 = arith.addi %mul3A_121, %add3A_295 : i32
        %get3A_297 = arith.index_cast %add3A_296 : i32 to index
        %get3A_298 = arith.constant 0 : index
        %get3A_299 = tpu.vector_load %arg7[%get3A_297, %get3A_298] {strides = array<i32>} : memref<400x128xf32, #tpu.memory_space<vmem>>, vector<1x16xf32>,
        %get3A_300 = vector.shape_cast %get3A_299 : vector<1x16xf32> to vector<16xf32>
        %mul3A_301 = arith.mulf %get3A_294, %get3A_300 : vector<16xf32>
        %add3A_302 = arith.addf %add3A_246, %mul3A_301 : vector<16xf32>
        %add3A_303 = arith.constant 3 : i32
        %add3A_304 = arith.addi %mul3A_121, %add3A_303 : i32
        %get3A_305 = arith.index_cast %add3A_304 : i32 to index
        %get3A_306 = arith.constant 16 : index
        %get3A_307 = tpu.vector_load %arg8[%get3A_305, %get3A_306] {strides = array<i32>} : memref<400x64xf32, #tpu.memory_space<vmem>>, vector<1x16xf32>,
        %get3A_308 = vector.shape_cast %get3A_307 : vector<1x16xf32> to vector<16xf32>
        %add3A_309 = arith.constant 3 : i32
        %add3A_310 = arith.addi %mul3A_121, %add3A_309 : i32
        %get3A_311 = arith.index_cast %add3A_310 : i32 to index
        %get3A_312 = arith.constant 16 : index
        %get3A_313 = tpu.vector_load %arg7[%get3A_311, %get3A_312] {strides = array<i32>} : memref<400x128xf32, #tpu.memory_space<vmem>>, vector<1x16xf32>,
        %get3A_314 = vector.shape_cast %get3A_313 : vector<1x16xf32> to vector<16xf32>
        %mul3A_315 = arith.mulf %get3A_308, %get3A_314 : vector<16xf32>
        %add3A_316 = arith.addf %add3A_260, %mul3A_315 : vector<16xf32>
        %add3A_317 = arith.constant 3 : i32
        %add3A_318 = arith.addi %mul3A_121, %add3A_317 : i32
        %get3A_319 = arith.index_cast %add3A_318 : i32 to index
        %get3A_320 = arith.constant 32 : index
        %get3A_321 = tpu.vector_load %arg8[%get3A_319, %get3A_320] {strides = array<i32>} : memref<400x64xf32, #tpu.memory_space<vmem>>, vector<1x16xf32>,
        %get3A_322 = vector.shape_cast %get3A_321 : vector<1x16xf32> to vector<16xf32>
        %add3A_323 = arith.constant 3 : i32
        %add3A_324 = arith.addi %mul3A_121, %add3A_323 : i32
        %get3A_325 = arith.index_cast %add3A_324 : i32 to index
        %get3A_326 = arith.constant 32 : index
        %get3A_327 = tpu.vector_load %arg7[%get3A_325, %get3A_326] {strides = array<i32>} : memref<400x128xf32, #tpu.memory_space<vmem>>, vector<1x16xf32>,
        %get3A_328 = vector.shape_cast %get3A_327 : vector<1x16xf32> to vector<16xf32>
        %mul3A_329 = arith.mulf %get3A_322, %get3A_328 : vector<16xf32>
        %add3A_330 = arith.addf %add3A_274, %mul3A_329 : vector<16xf32>
        %add3A_331 = arith.constant 3 : i32
        %add3A_332 = arith.addi %mul3A_121, %add3A_331 : i32
        %get3A_333 = arith.index_cast %add3A_332 : i32 to index
        %get3A_334 = arith.constant 48 : index
        %get3A_335 = tpu.vector_load %arg8[%get3A_333, %get3A_334] {strides = array<i32>} : memref<400x64xf32, #tpu.memory_space<vmem>>, vector<1x16xf32>,
        %get3A_336 = vector.shape_cast %get3A_335 : vector<1x16xf32> to vector<16xf32>
        %add3A_337 = arith.constant 3 : i32
        %add3A_338 = arith.addi %mul3A_121, %add3A_337 : i32
        %get3A_339 = arith.index_cast %add3A_338 : i32 to index
        %get3A_340 = arith.constant 48 : index
        %get3A_341 = tpu.vector_load %arg7[%get3A_339, %get3A_340] {strides = array<i32>} : memref<400x128xf32, #tpu.memory_space<vmem>>, vector<1x16xf32>,
        %get3A_342 = vector.shape_cast %get3A_341 : vector<1x16xf32> to vector<16xf32>
        %mul3A_343 = arith.mulf %get3A_336, %get3A_342 : vector<16xf32>
        %add3A_344 = arith.addf %add3A_288, %mul3A_343 : vector<16xf32>
        scf.yield %add3A_302, %add3A_316, %add3A_330, %add3A_344 : vector<16xf32>, vector<16xf32>, vector<16xf32>, vector<16xf32>
      }
      %scan3A_114 = arith.constant 100 : i32
      scf.yield %scan3A_113#0, %scan3A_113#1, %scan3A_113#2, %scan3A_113#3 : vector<16xf32>, vector<16xf32>, vector<16xf32>, vector<16xf32>
    }
    %scan3A_8 = arith.constant 4 : i32
    %add3A_9 = arith.addf %scan3A_7#0, %scan3A_7#1 : vector<16xf32>
    %add3A_10 = arith.addf %scan3A_7#2, %scan3A_7#3 : vector<16xf32>
    %add3A_11 = arith.addf %add3A_9, %add3A_10 : vector<16xf32>
    %swap3A = arith.constant 0 : index
    %swap3A_12 = tpu.vector_load %arg9[%swap3A] {strides = array<i32>} : memref<16xf32, #tpu.memory_space<vmem>>, vector<16xf32>,
    %swap3A_13 = vector.shape_cast %swap3A_12 : vector<16xf32> to vector<16xf32>
    %swap3A_14 = vector.shape_cast %add3A_11 : vector<16xf32> to vector<16xf32>
    tpu.vector_store %arg9[%swap3A], %swap3A_14 {strides = array<i32>} : memref<16xf32, #tpu.memory_space<vmem>>, vector<16xf32>,
    "tpu.region"() ({
      %run_scoped3A = tpu.sem_alloc : memref<!tpu.dma_semaphore, #tpu.memory_space<semaphore_mem>>
      %dma_start3A = arith.constant 0 : i32
      %dma_start3A_15 = tpu.memref_slice %arg5[%add3A, %dma_start3A] : memref<32x16xf32, #tpu.memory_space<hbm>> -> memref<1x16xf32, #tpu.memory_space<hbm>>
      %dma_start3A_16 = tpu.memref_squeeze %dma_start3A_15 : memref<1x16xf32, #tpu.memory_space<hbm>> -> memref<16xf32, #tpu.memory_space<hbm>>
      %dma_start3A_17 = arith.constant 0 : i32
      %dma_start3A_18 = tpu.memref_slice %arg5[%add3A, %dma_start3A_17] : memref<32x16xf32, #tpu.memory_space<hbm>> -> memref<1x16xf32, #tpu.memory_space<hbm>>
      %dma_start3A_19 = tpu.memref_squeeze %dma_start3A_18 : memref<1x16xf32, #tpu.memory_space<hbm>> -> memref<16xf32, #tpu.memory_space<hbm>>
      tpu.enqueue_dma source(%arg9 : memref<16xf32, #tpu.memory_space<vmem>>) target(%dma_start3A_19 : memref<16xf32, #tpu.memory_space<hbm>>) target_semaphore(%run_scoped3A : memref<!tpu.dma_semaphore, #tpu.memory_space<semaphore_mem>>)
      %dma_wait3A = arith.constant 0 : i32
      %dma_wait3A_20 = tpu.memref_slice %arg5[%add3A, %dma_wait3A] : memref<32x16xf32, #tpu.memory_space<hbm>> -> memref<1x16xf32, #tpu.memory_space<hbm>>
      %dma_wait3A_21 = tpu.memref_squeeze %dma_wait3A_20 : memref<1x16xf32, #tpu.memory_space<hbm>> -> memref<16xf32, #tpu.memory_space<hbm>>
      %dma_wait3A_22 = arith.constant 0 : i32
      %dma_wait3A_23 = tpu.memref_slice %arg5[%add3A, %dma_wait3A_22] : memref<32x16xf32, #tpu.memory_space<hbm>> -> memref<1x16xf32, #tpu.memory_space<hbm>>
      %dma_wait3A_24 = tpu.memref_squeeze %dma_wait3A_23 : memref<1x16xf32, #tpu.memory_space<hbm>> -> memref<16xf32, #tpu.memory_space<hbm>>
      tpu.wait_dma2 semaphore(%run_scoped3A : memref<!tpu.dma_semaphore, #tpu.memory_space<semaphore_mem>>) src(%arg9 : memref<16xf32, #tpu.memory_space<vmem>>) dst(%dma_wait3A_24 : memref<16xf32, #tpu.memory_space<hbm>>)
      tpu.yield
    }) : () -> ()
    return
  }
}

module attributes {stable_mosaic.version = 14 : i64} {
  func.func @_lse_kernel(%arg0: i32, %arg1: memref<1x1x5120xf32, #tpu.memory_space<vmem>>, %arg2: memref<5120x64xf32, #tpu.memory_space<vmem>>, %arg3: memref<1000x64xf32, #tpu.memory_space<vmem>>, %arg4: memref<1x1xf32, #tpu.memory_space<vmem>>, %arg5: memref<1x1xf32, #tpu.memory_space<vmem>>, %arg6: memref<5120x1xf32, #tpu.memory_space<vmem>>, %arg7: memref<1x5120xf32, #tpu.memory_space<vmem>>) attributes {dimension_semantics = [#tpu.dimension_semantics<arbitrary>], iteration_bounds = array<i64: 10>, scalar_prefetch = 0 : i64, scratch_operands = 2 : i64, tpu.core_type = #tpu.core_type<tc>, window_params = [{transform_indices = @transform_0, window_bounds = array<i64: 1, 1, 5120>}, {transform_indices = @transform_1, window_bounds = array<i64: 5120, 64>}, {pipeline_mode = #tpu.pipeline_mode<synchronous>, transform_indices = @transform_2, window_bounds = array<i64: 1000, 64>}, {pipeline_mode = #tpu.pipeline_mode<synchronous>, transform_indices = @transform_3, window_bounds = array<i64: 1, 1>}, {pipeline_mode = #tpu.pipeline_mode<synchronous>, transform_indices = @transform_4, window_bounds = array<i64: 1, 1>}]} {
    %get3A = arith.constant 0 : index
    %get3A_0 = arith.constant 0 : index
    %get3A_1 = vector.load %arg2[%get3A, %get3A_0] : memref<5120x64xf32, #tpu.memory_space<vmem>>, vector<5120x64xf32>
    %convert_element_type3A = arith.truncf %get3A_1 : vector<5120x64xf32> to vector<5120x64xbf16>
    %get3A_2 = arith.constant 0 : index
    %get3A_3 = arith.constant 0 : index
    %get3A_4 = vector.load %arg3[%get3A_2, %get3A_3] : memref<1000x64xf32, #tpu.memory_space<vmem>>, vector<1000x64xf32>
    %convert_element_type3A_5 = arith.truncf %get3A_4 : vector<1000x64xf32> to vector<1000x64xbf16>
    %dot_general3A = arith.constant dense<0.000000e+00> : vector<5120x1000xf32>
    %dot_general3A_6 = tpu.matmul %convert_element_type3A, %convert_element_type3A_5, %dot_general3A {dimension_numbers = #tpu.dot_dimension_numbers<[1], [1], [0], [0], [0, 0, 1, 0], [], []>, transpose_lhs_hint = false} : vector<5120x64xbf16>, vector<1000x64xbf16>, vector<5120x1000xf32> -> vector<5120x1000xf32>
    %broadcast_in_dim3A = arith.constant 1.000000e+00 : f32
    %broadcast_in_dim3A_7 = vector.broadcast %broadcast_in_dim3A : f32 to vector<1000x1xf32>
    %exp3A = math.exp %dot_general3A_6 : vector<5120x1000xf32>
    %dot_general3A_8 = arith.constant dense<0.000000e+00> : vector<5120x1xf32>
    %dot_general3A_9 = tpu.matmul %exp3A, %broadcast_in_dim3A_7, %dot_general3A_8 {dimension_numbers = #tpu.dot_dimension_numbers<[1], [0], [0], [1], [0, 0, 1, 1], [], []>, transpose_lhs_hint = false} : vector<5120x1000xf32>, vector<1000x1xf32>, vector<5120x1xf32> -> vector<5120x1xf32>
    %get3A_10 = arith.constant 0 : index
    %get3A_11 = arith.constant 0 : index
    %get3A_12 = arith.constant 0 : index
    %get3A_13 = vector.load %arg1[%get3A_10, %get3A_11, %get3A_12] : memref<1x1x5120xf32, #tpu.memory_space<vmem>>, vector<1x1x5120xf32>
    %get3A_14 = vector.shape_cast %get3A_13 : vector<1x1x5120xf32> to vector<5120xf32>
    %log3A = math.log %dot_general3A_9 : vector<5120x1xf32>
    %eq3A = arith.constant 0 : i32
    %eq3A_15 = arith.cmpi eq, %arg0, %eq3A : i32
    %convert_element_type3A_16 = arith.extui %eq3A_15 : i1 to i32
    %cond3A = arith.constant 0 : i32
    %cond3A_17 = arith.cmpi ne, %convert_element_type3A_16, %cond3A : i32
    scf.if %cond3A_17 {
      %swap3A = arith.constant 0 : index
      %swap3A_27 = arith.constant 0 : index
      %swap3A_28 = vector.load %arg6[%swap3A, %swap3A_27] : memref<5120x1xf32, #tpu.memory_space<vmem>>, vector<5120x1xf32>
      tpu.vector_store %arg6[%swap3A, %swap3A_27], %log3A {strides = array<i32>} : memref<5120x1xf32, #tpu.memory_space<vmem>>, vector<5120x1xf32>,
      %reshape3A = vector.shape_cast %get3A_14 : vector<5120xf32> to vector<1x5120xf32>
      %swap3A_29 = arith.constant 0 : index
      %swap3A_30 = arith.constant 0 : index
      %swap3A_31 = vector.load %arg7[%swap3A_29, %swap3A_30] : memref<1x5120xf32, #tpu.memory_space<vmem>>, vector<1x5120xf32>
      tpu.vector_store %arg7[%swap3A_29, %swap3A_30], %reshape3A {strides = array<i32>} : memref<1x5120xf32, #tpu.memory_space<vmem>>, vector<1x5120xf32>,
    } else {
    }
    %ne3A = arith.constant 0 : i32
    %ne3A_18 = arith.cmpi ne, %arg0, %ne3A : i32
    %convert_element_type3A_19 = arith.extui %ne3A_18 : i1 to i32
    %cond3A_20 = arith.constant 0 : i32
    %cond3A_21 = arith.cmpi ne, %convert_element_type3A_19, %cond3A_20 : i32
    scf.if %cond3A_21 {
      %get3A_27 = arith.constant 0 : index
      %get3A_28 = arith.constant 0 : index
      %get3A_29 = vector.load %arg6[%get3A_27, %get3A_28] : memref<5120x1xf32, #tpu.memory_space<vmem>>, vector<5120x1xf32>
      %add3A = arith.addf %get3A_29, %log3A : vector<5120x1xf32>
      %swap3A = arith.constant 0 : index
      %swap3A_30 = arith.constant 0 : index
      %swap3A_31 = vector.load %arg6[%swap3A, %swap3A_30] : memref<5120x1xf32, #tpu.memory_space<vmem>>, vector<5120x1xf32>
      tpu.vector_store %arg6[%swap3A, %swap3A_30], %add3A {strides = array<i32>} : memref<5120x1xf32, #tpu.memory_space<vmem>>, vector<5120x1xf32>,
      %get3A_32 = arith.constant 0 : index
      %get3A_33 = arith.constant 0 : index
      %get3A_34 = vector.load %arg7[%get3A_32, %get3A_33] : memref<1x5120xf32, #tpu.memory_space<vmem>>, vector<1x5120xf32>
      %reshape3A = vector.shape_cast %get3A_14 : vector<5120xf32> to vector<1x5120xf32>
      %add3A_35 = arith.addf %get3A_34, %reshape3A : vector<1x5120xf32>
      %swap3A_36 = arith.constant 0 : index
      %swap3A_37 = arith.constant 0 : index
      %swap3A_38 = vector.load %arg7[%swap3A_36, %swap3A_37] : memref<1x5120xf32, #tpu.memory_space<vmem>>, vector<1x5120xf32>
      tpu.vector_store %arg7[%swap3A_36, %swap3A_37], %add3A_35 {strides = array<i32>} : memref<1x5120xf32, #tpu.memory_space<vmem>>, vector<1x5120xf32>,
    } else {
    }
    %eq3A_22 = arith.constant 9 : i32
    %eq3A_23 = arith.cmpi eq, %arg0, %eq3A_22 : i32
    %convert_element_type3A_24 = arith.extui %eq3A_23 : i1 to i32
    %cond3A_25 = arith.constant 0 : i32
    %cond3A_26 = arith.cmpi ne, %convert_element_type3A_24, %cond3A_25 : i32
    scf.if %cond3A_26 {
      %get3A_27 = arith.constant 0 : index
      %get3A_28 = arith.constant 0 : index
      %get3A_29 = vector.load %arg6[%get3A_27, %get3A_28] : memref<5120x1xf32, #tpu.memory_space<vmem>>, vector<5120x1xf32>
      %reduce_sum3A = vector.shape_cast %get3A_29 : vector<5120x1xf32> to vector<1x5120x1xf32>
      %reduce_sum3A_30 = arith.constant dense<0.000000e+00> : vector<1xf32>
      %reduce_sum3A_31 = vector.multi_reduction <add>, %reduce_sum3A, %reduce_sum3A_30 [1, 2] : vector<1x5120x1xf32> to vector<1xf32>
      %reduce_sum3A_32 = vector.shape_cast %reduce_sum3A_31 : vector<1xf32> to vector<1x1x1xf32>
      %reduce_sum3A_33 = vector.extract %reduce_sum3A_32[0, 0, 0] : f32 from vector<1x1x1xf32>
      %reshape3A = vector.broadcast %reduce_sum3A_33 : f32 to vector<1x1xf32>
      %swap3A = arith.constant 0 : index
      %swap3A_34 = arith.constant 0 : index
      %swap3A_35 = vector.load %arg4[%swap3A, %swap3A_34] : memref<1x1xf32, #tpu.memory_space<vmem>>, vector<1x1xf32>
      tpu.vector_store %arg4[%swap3A, %swap3A_34], %reshape3A {strides = array<i32>} : memref<1x1xf32, #tpu.memory_space<vmem>>, vector<1x1xf32>,
      %get3A_36 = arith.constant 0 : index
      %get3A_37 = arith.constant 0 : index
      %get3A_38 = vector.load %arg7[%get3A_36, %get3A_37] : memref<1x5120xf32, #tpu.memory_space<vmem>>, vector<1x5120xf32>
      %reduce_sum3A_39 = vector.shape_cast %get3A_38 : vector<1x5120xf32> to vector<1x1x5120xf32>
      %reduce_sum3A_40 = arith.constant dense<0.000000e+00> : vector<1xf32>
      %reduce_sum3A_41 = vector.multi_reduction <add>, %reduce_sum3A_39, %reduce_sum3A_40 [1, 2] : vector<1x1x5120xf32> to vector<1xf32>
      %reduce_sum3A_42 = vector.shape_cast %reduce_sum3A_41 : vector<1xf32> to vector<1x1x1xf32>
      %reduce_sum3A_43 = vector.extract %reduce_sum3A_42[0, 0, 0] : f32 from vector<1x1x1xf32>
      %reshape3A_44 = vector.broadcast %reduce_sum3A_43 : f32 to vector<1x1xf32>
      %swap3A_45 = arith.constant 0 : index
      %swap3A_46 = arith.constant 0 : index
      %swap3A_47 = vector.load %arg5[%swap3A_45, %swap3A_46] : memref<1x1xf32, #tpu.memory_space<vmem>>, vector<1x1xf32>
      tpu.vector_store %arg5[%swap3A_45, %swap3A_46], %reshape3A_44 {strides = array<i32>} : memref<1x1xf32, #tpu.memory_space<vmem>>, vector<1x1xf32>,
    } else {
    }
    return
  }
  func.func @transform_0(%arg0: i32) -> (i32, i32, i32) {
    %c0_i32 = arith.constant 0 : i32
    %c0_i32_0 = arith.constant 0 : i32
    %c0_i32_1 = arith.constant 0 : i32
    return %arg0, %c0_i32, %c0_i32_0 : i32, i32, i32
  }
  func.func @transform_1(%arg0: i32) -> (i32, i32) {
    %c0_i32 = arith.constant 0 : i32
    %c0_i32_0 = arith.constant 0 : i32
    return %arg0, %c0_i32 : i32, i32
  }
  func.func @transform_2(%arg0: i32) -> (i32, i32) {
    %c0_i32 = arith.constant 0 : i32
    %c0_i32_0 = arith.constant 0 : i32
    %c0_i32_1 = arith.constant 0 : i32
    return %c0_i32, %c0_i32_0 : i32, i32
  }
  func.func @transform_3(%arg0: i32) -> (i32, i32) {
    %c0_i32 = arith.constant 0 : i32
    %c0_i32_0 = arith.constant 0 : i32
    %c0_i32_1 = arith.constant 0 : i32
    return %c0_i32, %c0_i32_0 : i32, i32
  }
  func.func @transform_4(%arg0: i32) -> (i32, i32) {
    %c0_i32 = arith.constant 0 : i32
    %c0_i32_0 = arith.constant 0 : i32
    %c0_i32_1 = arith.constant 0 : i32
    return %c0_i32, %c0_i32_0 : i32, i32
  }
}

</mosaic_0001>

<sc_bundles>
// kernel: kernel.4.cloned.1.call-start
scs
__scs_entry_jumppad:
0x0: {  	(pc) =	sbr.rel $0x88, $3  }
0x1: {  	(tag) =	ssettag $0x0;
	lr =	simm.s32 $0x1  }
0x2: {  	[smem:$0x3F9D] =	sst lr;
	_ =	strace $0xD0000000  }
0x3: {  	_ = 	snop  }
0x4: {  	_ = 	snop  }
0x5: {  	_ = 	snop  }
0x6: {  	_ = 	snop  }
0x7: {  	_ = 	snop  }
__scs_overlays_trampoline_lowered:
0x8: {  	[smem:$0x3FAC] =	sst s0  }
0x9: {  	[smem:$0x3FAD] =	sst s1  }
0xa: {  	[smem:$0x3FAE] =	sst s2  }
0xb: {  	[smem:$0x3FAF] =	sst s3  }
0xc: {  	[smem:$0x3FB0] =	sst s4  }
0xd: {  	[smem:$0x3FB1] =	sst s5  }
0xe: {  	[smem:$0x3FB2] =	sst s6  }
0xf: {  	[smem:$0x3FB3] =	sst s7  }
0x10: {  	[smem:$0x3FB4] =	sst s8  }
0x11: {  	[smem:$0x3FB5] =	sst s9;
	s0 =	simm.s32 @!p0 $0x0  }
0x12: {  	s1 =	sld [smem:$0x3F9B];
	s0 =	simm.s32 @p0 $0x1  }
0x13: {  	[smem:$0x3FB6] =	sst s0;
	s0 =	simm.s32 @!p1 $0x0  }
0x14: {  	s2 =	sld [smem:$0x3F9A];
	s0 =	simm.s32 @p1 $0x1  }
0x15: {  	[smem:$0x3FB7] =	sst s0;
	s0 =	simm.s32 @!p2 $0x0  }
0x16: {  	s3 =	sld [smem:$0x3FDB];
	s0 =	simm.s32 @p2 $0x1  }
0x17: {  	s4 =	simm.s32 $0x1BF5;
	[smem:$0x3FB9] =	sst s0  }
0x18: {  	s0 =	sld [smem:$0x3F9C];
	_ =	swait.ge [sflag:s4], $0x0  }
0x19: {  	s7 =	sld [smem:$0x3F9D]  }
0x1a: {  	s8 =	sadd.s32 $0xFFFFE003, lr  }
0x1b: {  	s9 =	sadd.s32 $0xFFFFFEF7, lr;
	s5 =	simm.s32 $0xFFFFFFFF;
	p2 =	slt.u32 s8, $0xFFFFF086  }
0x1c: {  	p1 =	slt.u32 s9, $0xF7A;
	s5 =	simm.s32 @!p2 $0x0  }
0x1d: {  	s5 =	simm.s32 @p1 $0x1;
	p0 =	seq.s32 s7, s2  }
0x1e: {  	s7 =	smul.u32 @!p0 $0xF7A, s2;
	p2 =	seq.s32 @!p0 s5, $0x0  }
0x1f: {  	s9 =	smul.u32 $0xF7A, s1;
	s8 =	simm.s32 @!p0 $0x1BF5;
	p2 =	por !p2, p0  }
0x20: {  	[sflag:s8] =	ssyncset.s32 @!p0 $0xFFFFF086;
	s6 =	sadd.s32 @!p0 s3, s7;
	s7 =	simm.s32 @!p0 $0x108  }
0x21: {  	s3 =	sadd.s32 s3, s9;
	s6 =	sadd.s32 @!p0 $0x88, s6;
	s7 =	simm.s32 @p2 $0x1082  }
0x22: {  	[simem:s7], [sflag:s8] =	dma.local @!p0 [hbm:s6], $0xF7A  }
0x23: {  	s9 =	sor.u32 $0xD0000000, s2;
	s6 =	simm.s32 $0x108;
	_ =	swait.ge @!p0 [sflag:s8], $0x0  }
0x24: {  	s3 =	sadd.s32 $0x88, s3;
	s6 =	simm.s32 @!p1 $0x1082;
	[sflag:s4] =	ssyncset.s32 $0xFFFFF086  }
0x25: {  	[simem:s6], [sflag:s4] =	dma.local [hbm:s3], $0xF7A  }
0x26: {  	[smem:$0x3F9D] =	sst s1;
	(tag) =	ssettag s2;
	_ =	strace s9  }
0x27: {  	s1 =	sld [smem:$0x3FAD]  }
0x28: {  	s2 =	sld [smem:$0x3FAE]  }
0x29: {  	s4 =	sld [smem:$0x3FB0]  }
0x2a: {  	p0 =	seq.s32 s5, $0x0;
	s5 =	sld [smem:$0x3FB1]  }
0x2b: {  	s6 =	sld [smem:$0x3FB2]  }
0x2c: {  	s7 =	sld [smem:$0x3FB3]  }
0x2d: {  	s3 =	simm.s32 $0x108;
	s8 =	sld [smem:$0x3FB4]  }
0x2e: {  	s3 =	simm.s32 @!p0 $0x1082;
	s9 =	sld [smem:$0x3FB5]  }
0x2f: {  	lr =	sadd.s32 s0, s3;
	s0 =	sld [smem:$0x3FAC]  }
0x30: {  	s3 =	sld [smem:$0x3FAF]  }
0x31: {  	[smem:$0x3FB8] =	sst s10  }
0x32: {  	s10 =	sld [smem:$0x3FB6];
	_ =	sdelay $0x3  }
0x33: {  	p0 =	seq.s32 s10, $0x1;
	s10 =	sld [smem:$0x3FB8];
	_ =	sdelay $0x3  }
0x34: {  	[smem:$0x3FB8] =	sst s10  }
0x35: {  	s10 =	sld [smem:$0x3FB7];
	_ =	sdelay $0x3  }
0x36: {  	p1 =	seq.s32 s10, $0x1;
	s10 =	sld [smem:$0x3FB8];
	_ =	sdelay $0x3  }
0x37: {  	[smem:$0x3FB8] =	sst s10  }
0x38: {  	s10 =	sld [smem:$0x3FB9]  }
0x39: {  	_ = 	snop;
	(pc) =	sbr.ind lr, $3  }
0x3a: {  	_ = 	snop  }
0x3b: {  	_ = 	snop  }
0x3c: {  	p2 =	seq.s32 s10, $0x1;
	s10 =	sld [smem:$0x3FB8]  }
0x3d: {  	_ =	shalt  }
0x3e: {  	_ =	shalt  }
0x3f: {  	_ =	shalt  }
0x40: {  	_ =	shalt  }
0x41: {  	_ =	shalt  }
0x42: {  	_ =	shalt  }
0x43: {  	_ =	shalt  }
0x44: {  	_ =	shalt  }
0x45: {  	_ =	shalt  }
0x46: {  	_ =	shalt  }
0x47: {  	_ =	shalt  }
0x48: {  	_ =	shalt  }
0x49: {  	_ =	shalt  }
0x4a: {  	_ =	shalt  }
0x4b: {  	_ =	shalt  }
0x4c: {  	_ =	shalt  }
0x4d: {  	_ =	shalt  }
0x4e: {  	_ =	shalt  }
0x4f: {  	_ =	shalt  }
0x50: {  	_ =	shalt  }
0x51: {  	_ =	shalt  }
0x52: {  	_ =	shalt  }
0x53: {  	_ =	shalt  }
0x54: {  	_ =	shalt  }
0x55: {  	_ =	shalt  }
0x56: {  	_ =	shalt  }
0x57: {  	_ =	shalt  }
0x58: {  	_ =	shalt  }
0x59: {  	_ =	shalt  }
0x5a: {  	_ =	shalt  }
0x5b: {  	_ =	shalt  }
0x5c: {  	_ =	shalt  }
0x5d: {  	_ =	shalt  }
0x5e: {  	_ =	shalt  }
0x5f: {  	_ =	shalt  }
0x60: {  	_ =	shalt  }
0x61: {  	_ =	shalt  }
0x62: {  	_ =	shalt  }
0x63: {  	_ =	shalt  }
0x64: {  	_ =	shalt  }
0x65: {  	_ =	shalt  }
0x66: {  	_ =	shalt  }
0x67: {  	_ =	shalt  }
0x68: {  	_ =	shalt  }
0x69: {  	_ =	shalt  }
0x6a: {  	_ =	shalt  }
0x6b: {  	_ =	shalt  }
0x6c: {  	_ =	shalt  }
0x6d: {  	_ =	shalt  }
0x6e: {  	_ =	shalt  }
0x6f: {  	_ =	shalt  }
0x70: {  	_ =	shalt  }
0x71: {  	_ =	shalt  }
0x72: {  	_ =	shalt  }
0x73: {  	_ =	shalt  }
0x74: {  	_ =	shalt  }
0x75: {  	_ =	shalt  }
0x76: {  	_ =	shalt  }
0x77: {  	_ =	shalt  }
0x78: {  	_ =	shalt  }
0x79: {  	_ =	shalt  }
0x7a: {  	_ =	shalt  }
0x7b: {  	_ =	shalt  }
0x7c: {  	_ =	shalt  }
0x7d: {  	_ =	shalt  }
0x7e: {  	_ =	shalt  }
0x7f: {  	_ =	shalt  }
0x80: {  	_ =	shalt  }
0x81: {  	_ =	shalt  }
0x82: {  	_ =	shalt  }
0x83: {  	_ =	shalt  }
0x84: {  	_ =	shalt  }
0x85: {  	_ =	shalt  }
0x86: {  	_ =	shalt  }
0x87: {  	_ =	shalt  }
.Lfunc_end0:
.L_simem_size_0:
called_computation_lowered:
.L_overlay_start_0:
0x88: {  	s2 =	sld [smem:$0x3FD9]  }
0x89: {  	s3 =	sld [smem:$0x3FFE];
	_ =	sdelay $0x1  }
0x8a: {  	s1 =	srdreg.scid  }
0x8b: {  	s0 =	sand.u32 $0x1, s1  }
0x8c: {  	s16 =	sshll.u32 s0, $0xA;
	s2 =	sadd.s32 s3, s2  }
0x8d: {  	s2 =	sadd.s32 s2, s16  }
0x8e: {  	[smem:$0x3FC4] =	sst s2  }
0x8f: {  	_ = 	snop  }
0x90: {  	(tm) =	ssettm $0x1  }
0x91: {  	s17 =	sld [smem:$0x3FFB];
	_ =	sdelay $0x3  }
0x92: {  	_ =	strace s17  }
0x93: {  	s2 =	sld [smem:$0x3FFC];
	_ =	sdelay $0x3  }
0x94: {  	_ =	strace s2  }
0x95: {  	s2 =	sld [smem:$0x3FFD];
	_ =	sdelay $0x3  }
0x96: {  	_ =	strace s2  }
0x97: {  	_ =	strace $0x8FFFFFFF  }
0x98: {  	s18 =	sld [smem:$0x3FDB];
	_ =	sdelay $0x1  }
0x99: {  	s19 =	simm.s32 $_scs_section_size  }
0x9a: {  	s4 =	simm.s32 $_size__tile_overlayer_lowered;
	s5 =	simm.s32 $_tile_overlayer_lowered  }
0x9b: {  	s22 =	simm.s32 $0x1BFF;
	s21 =	sshll.u32 s5, $0x1;
	s2 =	sadd.s32 s19, s18  }
0x9c: {  	s6 =	simm.s32 $0x0;
	s20 =	sshll.u32 s4, $0x1;
	s4 =	sadd.s32 s21, s2  }
0x9d: {  	[timem:s6], [sflag:s22] =	dma.local [hbm:s4], s20  }
0x9e: {  	_ =	swait.ge [sflag:s22], s20  }
0x9f: {  	s3 =	ssub.s32 $0x0, s20;
	[sflag:s22] =	ssyncset.done $0x0  }
0xa0: {  	[sflag:s22] =	ssyncadd.s32 s3;
	_ =	sdelay $0x1  }
0xa1: {  	s23 =	simm.s32 $0x1B8B  }
0xa2: {  	_ =	swait.ge [sflag:s23], $0x1  }
0xa3: {  	[sflag:s23] =	ssyncset.done $0x0  }
0xa4: {  	s25 =	simm.s32 $0x1B8E;
	s24 =	sld [smem:$0x3FFE];
	[sflag:s23] =	ssyncadd.s32 $0xFFFFFFFF  }
0xa5: {  	s26 =	simm.s32 $execute0_lowered;
	[smem:$0x3FD2] =	sst s25  }
0xa6: {  	s4 =	sshll.u32 s26, $0x1;
	_ =	strace $0x80000046;
	[dreg:$0x1] =	wrdreg $0xFFFFFFFF  }
0xa7: {  	s28 =	simm.s32 $_size_execute0_lowered;
	s2 =	sadd.s32 s2, s4;
	[dreg:$0x0] =	wrdreg $0x0  }
0xa8: {  	s4 =	sshll.u32 s28, $0x1;
	[dreg:$0x2] =	wrdreg s2  }
0xa9: {  	[dreg:$0x3] =	wrdreg s4  }
0xaa: {  	[dreg:$0x4] =	wrdreg $0xC0  }
0xab: {  	_ =	task [dreg:s6], $0x5FFFF  }
0xac: {  	[dreg:$0x1] =	wrdreg $0xFFFFFFFF  }
0xad: {  	[dreg:$0x0] =	wrdreg $0x60  }
0xae: {  	[dreg:$0x2] =	wrdreg s24  }
0xaf: {  	[dreg:$0x3] =	wrdreg $0x9  }
0xb0: {  	_ =	task.clear_ibuf [dreg:s6], $0x4FFFF;
	_ =	strace $0x90000046  }
0xb1: {  	s29 =	simm.s32 $0x9;
	_ =	strace $0x80000048  }
0xb2: {  	_ =	swait.ge [sflag:s29], $0x1  }
0xb3: {  	[sflag:s29] =	ssyncadd.s32 $0xFFFFFFFF  }
0xb4: {  	_ =	strace $0x90000048  }
0xb5: {  	_ =	sfence  }
0xb6: {  	s30 =	sld [smem:$0x0];
	_ =	sdelay $0x2  }
0xb7: {  	s31 =	sshll.u32 s1, $0xD;
	s1 =	sshrl.u32 s1, $0x2  }
0xb8: {  	s3 =	sand.u32 $0x4000, s31;
	s1 =	sadd.s32 s1, s30  }
0xb9: {  	s0 =	sor.u32 s3, s0;
	s1 =	sshll.u32 s1, $0x11  }
0xba: {  	s0 =	sor.u32 s1, s0  }
0xbb: {  	s0 =	sadd.s32 $0x8F2B, s0  }
0xbc: {  	[sflag:s0] =	ssyncadd.remote.s32 $0x1  }
0xbd: {  	_ =	sfence.sel $0xFFFF  }
0xbe: {  	[dreg:$0x0] =	wrdreg $0xFFFFFFFF;
	(pc) =	sbr.abs _section_cstart, $3  }
0xbf: {  	[dreg:$0x1] =	wrdreg $0xFFFFFFFF  }
0xc0: {  	_ =	task.clear_ibuf [dreg:s6], $0x2FFFF;
	_ =	strace $0x9FFFFFFF  }
0xc1: {  	(tm) =	ssettm $0x7FFFFFFF  }
tec
execute0_lowered:
.L_overlay_start_1:
0x0: {  	(tag) =	ssettag $0x1  }
0x1: {  	s6 =	rddreg [dreg:$0x0]  }
0x2: {  	s0 =	rddreg [dreg:$0x1];
	s2 =	simm.s32 $0x0;
	s3 =	srdreg.scid  }
0x3: {  	s1 =	stileid.u32;
	s11 =	simm.s32 $0x50;
	s12 =	simm.s32 $0x200  }
0x4: {  	s13 =	simm.s32 $0x2A00;
	s14 =	simm.s32 $0xA0;
	s15 =	simm.s32 $0x5200  }
0x5: {  	s16 =	simm.s32 $0xF0;
	s17 =	simm.s32 $0x7A00;
	s18 =	simm.s32 $0x140  }
0x6: {  	s19 =	simm.s32 $0xA200;
	s20 =	simm.s32 $0x1;
	s21 =	simm.s32 $0x2  }
0x7: {  	s22 =	simm.s32 $0x19200;
	s23 =	simm.s32 $0x0;
	s28 =	simm.s32 $0x0  }
0x8: {  	[smem:$0x7FF] =	sst s2;
	s4 =	sand.u32 $0x1, s3;
	s5 =	sshll.u32 s1, $0x1  }
0x9: {  	s3 =	sadd.s32 $0xC8800, s6;
	_ =	strace $0x80000047;
	s7 =	sor.u32 s4, s5  }
0xa: {  	s8 =	ssub.s32 $0x2, s4;
	s4 =	sadd.s32 $0x800, s6;
	s9 =	sshll.u32 s7, $0x4  }
0xb: {  	s5 =	sadd.s32 $0xCA200, s6;
	s10 =	sshrl.u32 s8, $0x1;
	s9 =	sadd.s32 s9, s6  }
0xc: {  	s8 =	ssub.s32 s8, s10;
	s6 =	smul.u32 $0x640, s7;
	s10 =	simm.s32 $0x3  }
0xd: {  	s7 =	sadd.s32 $0xCE200, s9;
	s8 =	smax.u32 s8, $0x1;
	s9 =	simm.s32 $0xCA00  }
.LBB2_1:
0xe: {  	v0 =	vimm.f32 $0.0e+00  }
0xf: {  	v1 =	vimm.f32 $0.0e+00;
	v2 =	vimm.f32 $0.0e+00;
	v3 =	vimm.f32 $0.0e+00;
	s24 =	simm.s32 $0x0  }
.LBB2_2:
0x10: {  	s25 =	smul.u32 $0x190, s24;
	_ =	sdelay $0x1  }
0x11: {  	s25 =	sadd.s32 s6, s25  }
0x12: {  	s26 =	sshll.u32 s25, $0x4  }
0x13: {  	s25 =	sshrl.u32 s25, $0x3;
	s26 =	sadd.s32 s4, s26  }
0x14: {  	[tilespmem:s9], [sflag:$0x2] =	stream.linear.gather [hbm4b:s26+s28], $0xC800, $0x38;
	[tilespmem:$0x19280] =	vst v63  }
0x15: {  	s25 =	sadd.s32 s3, s25  }
0x16: {  	[tilespmem:s28], [sflag:$0x3] =	stream.linear.gather [hbm4b:s25+s28], $0x190, $0x38;
	[tilespmem:$0x19280] =	vst v63  }
0x17: {  	_ =	swait.ge [sflag:s10], $0x190  }
0x18: {  	[sflag:s10] =	ssyncset.done $0x0  }
0x19: {  	[sflag:s10] =	ssyncadd.s32 $0xFFFFFE70  }
0x1a: {  	[tilespmem:s12], [sflag:$0x1] =	stream.indirect.gather [hbm4b:s5+s11], $0x80, s28, s11, $0xb8;
	[tilespmem:$0x19280] =	vst v63  }
0x1b: {  	_ = 	snop  }
0x1c: {  	[tilespmem:s13], [sflag:$0x1] =	stream.indirect.gather [hbm4b:s5+s11], $0x80, s11, s11, $0xb8;
	[tilespmem:$0x19280] =	vst v63  }
0x1d: {  	_ = 	snop  }
0x1e: {  	[tilespmem:s15], [sflag:$0x1] =	stream.indirect.gather [hbm4b:s5+s11], $0x80, s14, s11, $0xb8;
	[tilespmem:$0x19280] =	vst v63  }
0x1f: {  	_ = 	snop  }
0x20: {  	[tilespmem:s17], [sflag:$0x1] =	stream.indirect.gather [hbm4b:s5+s11], $0x80, s16, s11, $0xb8;
	[tilespmem:$0x19280] =	vst v63  }
0x21: {  	_ = 	snop  }
0x22: {  	[tilespmem:s19], [sflag:$0x1] =	stream.indirect.gather [hbm4b:s5+s11], $0x80, s18, s11, $0xb8;
	[tilespmem:$0x19280] =	vst v63  }
0x23: {  	_ =	swait.ge [sflag:s20], $0x2800  }
0x24: {  	[sflag:s20] =	ssyncset.done $0x0  }
0x25: {  	[sflag:s20] =	ssyncadd.s32 $0xFFFFD800  }
0x26: {  	_ =	swait.ge [sflag:s20], $0x2800  }
0x27: {  	[sflag:s20] =	ssyncset.done $0x0  }
0x28: {  	[sflag:s20] =	ssyncadd.s32 $0xFFFFD800  }
0x29: {  	_ =	swait.ge [sflag:s20], $0x2800  }
0x2a: {  	[sflag:s20] =	ssyncset.done $0x0  }
0x2b: {  	[sflag:s20] =	ssyncadd.s32 $0xFFFFD800  }
0x2c: {  	_ =	swait.ge [sflag:s20], $0x2800  }
0x2d: {  	[sflag:s20] =	ssyncset.done $0x0  }
0x2e: {  	[sflag:s20] =	ssyncadd.s32 $0xFFFFD800  }
0x2f: {  	_ =	swait.ge [sflag:s20], $0x2800  }
0x30: {  	[sflag:s20] =	ssyncset.done $0x0  }
0x31: {  	[sflag:s20] =	ssyncadd.s32 $0xFFFFD800  }
0x32: {  	_ =	swait.ge [sflag:s21], $0xC800  }
0x33: {  	[sflag:s21] =	ssyncset.done $0x0  }
0x34: {  	s25 =	simm.s32 $0x0;
	[sflag:s21] =	ssyncadd.s32 $0xFFFF3800  }
0x35: {  	v8 =	vld [tilespmem:s25+$0xCB80]  }
0x36: {  	v9 =	vld [tilespmem:s25+$0x380]  }
0x37: {  	v10 =	vld [tilespmem:s25+$0xCB90]  }
0x38: {  	v11 =	vld [tilespmem:s25+$0x390]  }
0x39: {  	v4 =	vld [tilespmem:s25+$0xCBA0]  }
0x3a: {  	v5 =	vld [tilespmem:s25+$0x3A0]  }
0x3b: {  	v12 =	vld [tilespmem:s25+$0xCB00]  }
0x3c: {  	v14 =	vld [tilespmem:s25+$0x300]  }
0x3d: {  	v16 =	vld [tilespmem:s25+$0xCB10]  }
0x3e: {  	v17 =	vld [tilespmem:s25+$0x310]  }
0x3f: {  	v6 =	vld [tilespmem:s25+$0xCB20]  }
0x40: {  	v7 =	vld [tilespmem:s25+$0x320]  }
0x41: {  	v18 =	vld [tilespmem:s25+$0xCA80]  }
0x42: {  	v19 =	vld [tilespmem:s25+$0x280]  }
0x43: {  	v20 =	vld [tilespmem:s25+$0xCA90]  }
0x44: {  	v21 =	vld [tilespmem:s25+$0x290]  }
0x45: {  	v13 =	vld [tilespmem:s25+$0xCAA0]  }
0x46: {  	v15 =	vld [tilespmem:s25+$0x2A0]  }
0x47: {  	v22 =	vld [tilespmem:s25+$0xCA00]  }
0x48: {  	v23 =	vld [tilespmem:s25+$0x200]  }
0x49: {  	v24 =	vld [tilespmem:s25+$0xCA10]  }
0x4a: {  	v26 =	vld [tilespmem:s25+$0x210]  }
0x4b: {  	v25 =	vld [tilespmem:s25+$0xCA20]  }
0x4c: {  	v27 =	vld [tilespmem:s25+$0x220]  }
0x4d: {  	s26 =	simm.s32 $0x800;
	v28 =	vld [tilespmem:s25+$0xCA30]  }
.LBB2_3:
0x4e: {  	p0 =	sne.s32 s26, $0x31800;
	v29 =	vld [tilespmem:s25+$0x230]  }
0x4f: {  	v31 =	vmul.f32 v9, v8;
	v32 =	vmul.f32 v11, v10;
	v30 =	vld [tilespmem:s25+$0xCAB0]  }
0x50: {  	v12 =	vmul.f32 v14, v12;
	v14 =	vmul.f32 v17, v16;
	v9 =	vld [tilespmem:s25+$0x2B0]  }
0x51: {  	v10 =	vmul.f32 v19, v18;
	v11 =	vmul.f32 v21, v20;
	v16 =	vld [tilespmem:s25+$0xCB30]  }
0x52: {  	v8 =	vmul.f32 v23, v22;
	v17 =	vmul.f32 v26, v24;
	v18 =	vld [tilespmem:s25+$0x330]  }
0x53: {  	v19 =	vmul.f32 v27, v25;
	v20 =	vmul.f32 v29, v28;
	v21 =	vld [tilespmem:s25+$0xCBB0]  }
0x54: {  	v13 =	vmul.f32 v15, v13;
	v3 =	vadd.f32 v8, v3;
	v2 =	vadd.f32 v17, v2;
	v15 =	vld [tilespmem:s25+$0x3B0];
	s25 =	sshra.s32 s26, $0x2  }
0x55: {  	v1 =	vadd.f32 v19, v1;
	v8 =	vld [tilespmem:s25+$0xCB80];
	v0 =	vadd.f32 v20, v0;
	v17 =	vmul.f32 v9, v30  }
0x56: {  	v6 =	vmul.f32 v7, v6;
	v3 =	vadd.f32 v10, v3;
	v2 =	vadd.f32 v11, v2;
	v9 =	vld [tilespmem:s25+$0x380]  }
0x57: {  	v1 =	vadd.f32 v13, v1;
	v10 =	vld [tilespmem:s25+$0xCB90];
	v0 =	vadd.f32 v17, v0;
	v7 =	vmul.f32 v18, v16  }
0x58: {  	v3 =	vadd.f32 v12, v3;
	v2 =	vadd.f32 v14, v2;
	v13 =	vmul.f32 v5, v4;
	v11 =	vld [tilespmem:s25+$0x390]  }
0x59: {  	v1 =	vadd.f32 v6, v1;
	v4 =	vld [tilespmem:s25+$0xCBA0];
	v0 =	vadd.f32 v7, v0;
	v6 =	vmul.f32 v15, v21  }
0x5a: {  	v3 =	vadd.f32 v31, v3;
	v2 =	vadd.f32 v32, v2;
	v5 =	vld [tilespmem:s25+$0x3A0]  }
0x5b: {  	v1 =	vadd.f32 v13, v1;
	v12 =	vld [tilespmem:s25+$0xCB00];
	v0 =	vadd.f32 v6, v0  }
0x5c: {  	v14 =	vld [tilespmem:s25+$0x300]  }
0x5d: {  	v16 =	vld [tilespmem:s25+$0xCB10]  }
0x5e: {  	v17 =	vld [tilespmem:s25+$0x310]  }
0x5f: {  	v6 =	vld [tilespmem:s25+$0xCB20]  }
0x60: {  	v7 =	vld [tilespmem:s25+$0x320]  }
0x61: {  	v18 =	vld [tilespmem:s25+$0xCA80]  }
0x62: {  	v19 =	vld [tilespmem:s25+$0x280]  }
0x63: {  	v20 =	vld [tilespmem:s25+$0xCA90]  }
0x64: {  	v21 =	vld [tilespmem:s25+$0x290]  }
0x65: {  	v13 =	vld [tilespmem:s25+$0xCAA0]  }
0x66: {  	v15 =	vld [tilespmem:s25+$0x2A0]  }
0x67: {  	v22 =	vld [tilespmem:s25+$0xCA00]  }
0x68: {  	v23 =	vld [tilespmem:s25+$0x200]  }
.Ltmp0:
0x69: {  	v24 =	vld [tilespmem:s25+$0xCA10];
	(pc) =	sbr.rel @p0 .LBB2_3-.Ltmp0, $4  }
0x6a: {  	v26 =	vld [tilespmem:s25+$0x210]  }
0x6b: {  	v25 =	vld [tilespmem:s25+$0xCA20]  }
0x6c: {  	v27 =	vld [tilespmem:s25+$0x220]  }
0x6d: {  	s26 =	sadd.s32 $0x800, s26;
	v28 =	vld [tilespmem:s25+$0xCA30]  }
0x6e: {  	v29 =	vld [tilespmem:s25+$0x230]  }
0x6f: {  	v30 =	vld [tilespmem:s25+$0xCAB0];
	v8 =	vmul.f32 v9, v8;
	v49 =	vmul.f32 v11, v10  }
0x70: {  	v50 =	vld [tilespmem:s25+$0x2B0];
	v51 =	vmul.f32 v14, v12;
	v52 =	vmul.f32 v17, v16  }
0x71: {  	v53 =	vmul.f32 v19, v18;
	v54 =	vmul.f32 v21, v20;
	v55 =	vld [tilespmem:s25+$0xCB30]  }
0x72: {  	v56 =	vmul.f32 v23, v22;
	v58 =	vld [tilespmem:s25+$0x330];
	v57 =	vmul.f32 v26, v24  }
0x73: {  	v61 =	vld [tilespmem:s25+$0xCBB0];
	v59 =	vmul.f32 v27, v25;
	v60 =	vmul.f32 v29, v28  }
0x74: {  	v13 =	vmul.f32 v15, v13;
	v62 =	vld [tilespmem:s25+$0x3B0];
	v3 =	vadd.f32 v56, v3;
	v2 =	vadd.f32 v57, v2  }
0x75: {  	s24 =	sadd.s32 $0x1, s24;
	v1 =	vadd.f32 v59, v1;
	v10 =	vmul.f32 v50, v30;
	v0 =	vadd.f32 v60, v0  }
0x76: {  	v6 =	vmul.f32 v7, v6;
	p0 =	sne.s32 s24, $0x4;
	v3 =	vadd.f32 v53, v3;
	v2 =	vadd.f32 v54, v2  }
.Ltmp1:
0x77: {  	v63 =	vmul.f32 v58, v55;
	v1 =	vadd.f32 v13, v1;
	v0 =	vadd.f32 v10, v0;
	(pc) =	sbr.rel @p0 .LBB2_2-.Ltmp1, $4  }
0x78: {  	v4 =	vmul.f32 v5, v4;
	v3 =	vadd.f32 v51, v3;
	v2 =	vadd.f32 v52, v2  }
0x79: {  	v5 =	vmul.f32 v62, v61;
	v1 =	vadd.f32 v6, v1;
	v0 =	vadd.f32 v63, v0  }
0x7a: {  	v3 =	vadd.f32 v8, v3;
	v2 =	vadd.f32 v49, v2  }
0x7b: {  	v1 =	vadd.f32 v4, v1;
	v0 =	vadd.f32 v5, v0  }
0x7c: {  	_ = 	snop  }
0x7d: {  	v2 =	vadd.f32 v2, v3;
	v0 =	vadd.f32 v0, v1;
	_ =	sdelay $0x1  }
0x7e: {  	s23 =	sadd.s32 $0x1, s23;
	v0 =	vadd.f32 v0, v2  }
0x7f: {  	p0 =	sne.s32 s23, s8  }
.Ltmp2:
0x80: {  	[tilespmem:$0x19200] =	vst v0;
	(pc) =	sbr.rel @p0 .LBB2_1-.Ltmp2, $4  }
0x81: {  	[hbm4b:s7+s2] =	stream.linear.scatter [tilespmem:s22], [sflag:$0x3], $0x80, $0x38;
	[tilespmem:$0x19280] =	vst v63  }
0x82: {  	_ =	swait.ge [sflag:s10], $0x80  }
0x83: {  	[sflag:s10] =	ssyncset.done $0x0  }
0x84: {  	[sflag:s10] =	ssyncadd.s32 $0xFFFFFF80  }
0x85: {  	_ =	sfence.sel $0x180000  }
0x86: {  	[bflag:$0x0] =	sbarrier.arrive $0xFFFF  }
0x87: {  	p0 =	sne.s32 s1, $0x0;
	_ =	strace $0x90000047  }
0x88: {  	s0 =	sadd.s32 @!p0 $0x100000, s0;
	[bflag:$0x2] =	sbarrier.arrive $0xFFFF  }
0x89: {  	[sflag:s0] =	ssyncadd.tile.s32 @!p0 $0x1;
	_ =	shalt  }
.Lfunc_end2:
_tile_overlayer_lowered:
.L_overlay_start_2:
0x8a: {  	(tag) =	ssettag $0x2  }
0x8b: {  	s0 =	rddreg [dreg:$0x0];
	s2 =	stileid.u32  }
0x8c: {  	s1 =	rddreg [dreg:$0x1];
	p0 =	sne.s32 s2, $0x0  }
0x8d: {  	s3 =	rddreg [dreg:$0x2];
	[bflag:$0x3] =	sbarrier.arrive $0xFFFF;
	s2 =	simm.s32 @!p0 $0x1C03  }
0x8e: {  	[timem:s3], [sflag:s2] =	dma.local @!p0 [hbm:s0], s1  }
0x8f: {  	s0 =	simm.s32 @!p0 $0x3  }
0x90: {  	_ =	swait.ge @!p0 [sflag:s0], s1  }
0x91: {  	s1 =	ssub.s32 @!p0 $0x0, s1;
	[sflag:s0] =	ssyncset.done @!p0 $0x0  }
0x92: {  	[sflag:s0] =	ssyncadd.s32 @!p0 s1  }
0x93: {  	[bflag:$0x3] =	sbarrier.arrive $0xFFFF  }
0x94: {  	_ =	shalt  }

</sc_bundles>
